<compile_context>
chip_gen: v7x
topology: tpu7x:2x2x1
jax: 0.10.2.dev20260603
libtpu: 0.0.44.dev20260713+nightly
codegen_flags: <defaults>
</compile_context>

<pallas_src>
import functools

import numpy as np
import jax
import jax.numpy as jnp
from jax import lax
from jax.experimental import pallas as pl
from jax.experimental.pallas import tpu as pltpu
from jax.experimental.pallas import tpu_sc as plsc

_STEM = 64
_TOKEN = 64
_S = 512
_RADII = (0.1, 0.2, 0.4)
_NNS = (16, 32, 64)
_POS = 24
_CDIM = 96
_B = 4
_N = 8192
_CT = 128
_NT = _S // _CT
_CTM = 64
_D = 80
_NW = 32
_CHUNK = 128


def _posenc_pieces(rel, half):
    c = np.float32(-np.log(10000.0) / max(half - 1, 1))
    freqs = jnp.exp(
        lax.broadcasted_iota(jnp.int32, (1, half), 1).astype(jnp.float32) * c)
    pieces = []
    for k in range(3):
        ang = rel[:, k:k + 1] * freqs
        pieces.append(jnp.sin(ang))
        pieces.append(jnp.cos(ang))
    return pieces


def _layer_norm(y, g, beta):
    mu = jnp.mean(y, axis=-1, keepdims=True)
    d = y - mu
    var = jnp.mean(d * d, axis=-1, keepdims=True)
    return d / jnp.sqrt(var + 1e-5) * g + beta


def _gelu(y):
    return y * 0.5 * (1.0 + lax.erf(y * np.float32(1.0 / np.sqrt(2.0))))


def _fps_kernel(x_ref, y_ref, z_ref, idx_ref, cx_ref, cy_ref, cz_ref):
    xv = x_ref[...]
    yv = y_ref[...]
    zv = z_ref[...]
    lane_n = lax.broadcasted_iota(jnp.int32, (_B, _N), 1)
    lane_s = lax.broadcasted_iota(jnp.int32, (_B, _S), 1)
    boff = lax.broadcasted_iota(jnp.int32, (_B, 1), 0) * _N

    def body(i, carry):
        dist, far, cidx, cxs, cys, czs = carry
        m = lane_n == far
        cxv = jnp.sum(jnp.where(m, xv, 0.0), axis=1, keepdims=True)
        cyv = jnp.sum(jnp.where(m, yv, 0.0), axis=1, keepdims=True)
        czv = jnp.sum(jnp.where(m, zv, 0.0), axis=1, keepdims=True)
        sel = lane_s == i
        cidx = jnp.where(sel, far + boff, cidx)
        cxs = jnp.where(sel, cxv, cxs)
        cys = jnp.where(sel, cyv, cys)
        czs = jnp.where(sel, czv, czs)
        dx = xv - cxv
        dy = yv - cyv
        dz = zv - czv
        d = dx * dx + dy * dy
        d = d + dz * dz
        dist = jnp.minimum(dist, d)
        mx = jnp.max(dist, axis=1, keepdims=True)
        far = jnp.min(jnp.where(dist == mx, lane_n, _N), axis=1, keepdims=True)
        return dist, far, cidx, cxs, cys, czs

    dist0 = jnp.full((_B, _N), 1e10, jnp.float32)
    far0 = jnp.zeros((_B, 1), jnp.int32)
    zi = jnp.zeros((_B, _S), jnp.int32)
    zf = jnp.zeros((_B, _S), jnp.float32)
    _, _, cidx, cxs, cys, czs = lax.fori_loop(
        0, _S, body, (dist0, far0, zi, zf, zf, zf))
    idx_ref[...] = cidx
    cx_ref[...] = cxs
    cy_ref[...] = cys
    cz_ref[...] = czs


def _run_fps(x, y, z):
    out = (
        jax.ShapeDtypeStruct((_B, _S), jnp.int32),
        jax.ShapeDtypeStruct((_B, _S), jnp.float32),
        jax.ShapeDtypeStruct((_B, _S), jnp.float32),
        jax.ShapeDtypeStruct((_B, _S), jnp.float32),
    )
    return pl.pallas_call(_fps_kernel, out_shape=out)(x, y, z)


def _ballq_kernel(x_ref, y_ref, z_ref, c_ref, out_ref, *, r2, nn):
    b = pl.program_id(0)
    xv = x_ref[0]
    yv = y_ref[0]
    zv = z_ref[0]
    ca = c_ref[0, 0]
    lane8 = lax.broadcasted_iota(jnp.int32, (_CT, 8), 1)
    cx = jnp.sum(jnp.where(lane8 == 0, ca, 0.0), axis=1, keepdims=True)
    cy = jnp.sum(jnp.where(lane8 == 1, ca, 0.0), axis=1, keepdims=True)
    cz = jnp.sum(jnp.where(lane8 == 2, ca, 0.0), axis=1, keepdims=True)
    cs2 = cx * cx + cy * cy
    cs2 = cs2 + cz * cz
    pn2 = xv * xv + yv * yv
    pn2 = pn2 + zv * zv
    bf = lambda a: a.astype(jnp.bfloat16).astype(jnp.float32)
    xb, yb, zb = bf(xv), bf(yv), bf(zv)
    cxb, cyb, czb = bf(cx), bf(cy), bf(cz)
    dot = cxb * xb + cyb * yb
    dot = dot + czb * zb
    d2 = (cs2 + pn2) - 2.0 * dot
    nf = lax.broadcasted_iota(jnp.int32, (_CT, _N), 1).astype(jnp.float32)
    big = jnp.float32(1e9)
    gidx = jnp.where(d2 > r2, big, nf)
    kcol = lax.broadcasted_iota(jnp.int32, (_CT, nn), 1)

    def body(k, carry):
        gidx, acc = carry
        m = jnp.min(gidx, axis=1, keepdims=True)
        acc = jnp.where(kcol == k, m, acc)
        gidx = jnp.where(gidx == m, big, gidx)
        return gidx, acc

    acc0 = jnp.full((_CT, nn), big, jnp.float32)
    _, acc = lax.fori_loop(0, nn, body, (gidx, acc0))
    first = acc[:, 0:1]
    acc = jnp.where(acc == big, first, acc)
    acc = jnp.where(acc == big, 0.0, acc)
    out_ref[...] = (acc.astype(jnp.int32) + b * _N).reshape(1, _CT, nn)


def _run_ballq(x, y, z, centers8, r, nn):
    kern = functools.partial(_ballq_kernel, r2=np.float32(r * r), nn=nn)
    grid = (_B, _NT)
    pt_spec = pl.BlockSpec((1, 1, _N), lambda b, t: (b, 0, 0))
    c_spec = pl.BlockSpec((1, 1, _CT, 8), lambda b, t: (b, t, 0, 0))
    x3 = x.reshape(_B, 1, _N)
    y3 = y.reshape(_B, 1, _N)
    z3 = z.reshape(_B, 1, _N)
    out = pl.pallas_call(
        kern,
        grid=grid,
        in_specs=[pt_spec, pt_spec, pt_spec, c_spec],
        out_specs=pl.BlockSpec((1, _CT, nn), lambda b, t: (b, t, 0)),
        out_shape=jax.ShapeDtypeStruct((_B, _S, nn), jnp.int32),
    )(x3, y3, z3, centers8)
    return out.reshape(_B, _S // _CTM, _CTM, nn).transpose(0, 1, 3, 2).reshape(-1)


def _sc_gather(table, idx):
    rp = idx.shape[0]
    per_w = rp // _NW
    n_chunks = per_w // _CHUNK
    mesh = plsc.VectorSubcoreMesh(core_axis_name="c", subcore_axis_name="s")

    @functools.partial(
        pl.kernel,
        mesh=mesh,
        compiler_params=pltpu.CompilerParams(use_tc_tiling_on_sc=False),
        out_type=jax.ShapeDtypeStruct((rp, _D), jnp.float32),
        scratch_types=[
            pltpu.VMEM((per_w,), jnp.int32),
            pltpu.VMEM((_CHUNK, _D), jnp.float32),
            pltpu.SemaphoreType.DMA,
        ],
    )
    def k(table_hbm, idx_hbm, out_hbm, idx_v, rows_v, sem):
        wid = lax.axis_index("s") * 2 + lax.axis_index("c")
        base = wid * per_w
        pltpu.sync_copy(idx_hbm.at[pl.ds(base, per_w)], idx_v)

        def body(g, carry):
            off = pl.multiple_of(g * _CHUNK, _CHUNK)
            pltpu.async_copy(
                table_hbm.at[idx_v.at[pl.ds(off, _CHUNK)]], rows_v, sem
            ).wait()
            pltpu.sync_copy(rows_v, out_hbm.at[pl.ds(base + off, _CHUNK)])
            return carry

        lax.fori_loop(0, n_chunks, body, 0)

    return k(table, idx)


def _scale_kernel(g_ref, c_ref, w1_ref, b1_ref, g1_ref, be1_ref,
                  w2_ref, b2_ref, g2_ref, be2_ref, out_ref, *, nn):
    g = g_ref[...]
    c = c_ref[...]
    gfeat = g[:, 0:_STEM]
    rel = g[:, _STEM:_STEM + 4] - c
    pieces = _posenc_pieces(rel, _POS // 6)
    rows = _CTM * nn
    zpad = jnp.zeros((rows, 5), jnp.float32)
    x = jnp.concatenate([gfeat, rel[:, 0:3]] + pieces + [zpad], axis=1)
    y = jnp.dot(x, w1_ref[...], preferred_element_type=jnp.float32)
    y = y + b1_ref[...]
    y = _gelu(_layer_norm(y, g1_ref[...], be1_ref[...]))
    y = jnp.dot(y, w2_ref[...], preferred_element_type=jnp.float32)
    y = y + b2_ref[...]
    y = _layer_norm(y, g2_ref[...], be2_ref[...])
    m = y[0:_CTM, :]
    for k in range(1, nn):
        m = jnp.maximum(m, y[k * _CTM:(k + 1) * _CTM, :])
    out_ref[...] = m


def _run_scale(grows, crep, p1, p2, nn):
    rows_b = _CTM * nn
    nblk = _B * _S // _CTM
    kern = functools.partial(_scale_kernel, nn=nn)
    vec = lambda a: a.reshape(1, -1)
    w1p = jnp.concatenate(
        [p1['W'], jnp.zeros((96 - p1['W'].shape[0], _TOKEN), jnp.float32)])
    ws = [w1p, vec(p1['b']), vec(p1['g']), vec(p1['beta']),
          p2['W'], vec(p2['b']), vec(p2['g']), vec(p2['beta'])]
    out = pl.pallas_call(
        kern,
        grid=(nblk,),
        in_specs=[
            pl.BlockSpec((rows_b, _D), lambda t: (t, 0)),
            pl.BlockSpec((rows_b, 4), lambda t: (t, 0)),
        ] + [pl.BlockSpec(w.shape, lambda t: (0, 0)) for w in ws],
        out_specs=pl.BlockSpec((_CTM, _TOKEN), lambda t: (t, 0)),
        out_shape=jax.ShapeDtypeStruct((_B * _S, _TOKEN), jnp.float32),
    )(grows, crep, *ws)
    return out


def _token_kernel(cf_ref, s0_ref, s1_ref, s2_ref, c_ref,
                  w1_ref, b1_ref, g1_ref, be1_ref,
                  w2_ref, b2_ref, g2_ref, be2_ref, out_ref):
    c = c_ref[...]
    pieces = _posenc_pieces(c, _CDIM // 6)
    x = jnp.concatenate(
        [cf_ref[...], s0_ref[...], s1_ref[...], s2_ref[...]] + pieces, axis=1)
    y = jnp.dot(x, w1_ref[...], preferred_element_type=jnp.float32)
    y = y + b1_ref[...]
    y = _gelu(_layer_norm(y, g1_ref[...], be1_ref[...]))
    y = jnp.dot(y, w2_ref[...], preferred_element_type=jnp.float32)
    y = y + b2_ref[...]
    out_ref[...] = _layer_norm(y, g2_ref[...], be2_ref[...])


def _run_token(cfeat, s0, s1, s2, centers4, p1, p2):
    vec = lambda a: a.reshape(1, -1)
    return pl.pallas_call(
        _token_kernel,
        out_shape=jax.ShapeDtypeStruct((_B * _S, _TOKEN), jnp.float32),
    )(cfeat, s0, s1, s2, centers4,
      p1['W'], vec(p1['b']), vec(p1['g']), vec(p1['beta']),
      p2['W'], vec(p2['b']), vec(p2['g']), vec(p2['beta']))


def kernel(xyz, point_feature, params):
    x = xyz[:, :, 0]
    y = xyz[:, :, 1]
    z = xyz[:, :, 2]
    cidx, cxs, cys, czs = _run_fps(x, y, z)

    patch_center = jnp.stack([cxs, cys, czs], axis=-1)
    centers8 = jnp.concatenate(
        [patch_center, jnp.zeros((_B, _S, 5), jnp.float32)],
        axis=-1).reshape(_B, _NT, _CT, 8)

    idx_scales = [
        _run_ballq(x, y, z, centers8, r, nn)
        for r, nn in zip(_RADII, _NNS)
    ]

    table = jnp.concatenate(
        [point_feature, xyz, jnp.zeros((_B, _N, _D - _STEM - 3), jnp.float32)],
        axis=-1).reshape(_B * _N, _D)
    counts = [idx.shape[0] for idx in idx_scales]
    idx_all = jnp.concatenate(idx_scales + [cidx.reshape(-1)])
    pad = -idx_all.shape[0] % (_NW * _CHUNK)
    idx_all = jnp.concatenate([idx_all, jnp.zeros((pad,), jnp.int32)])
    rows = _sc_gather(table, idx_all)

    centers4 = jnp.stack(
        [cxs.reshape(-1), cys.reshape(-1), czs.reshape(-1),
         jnp.zeros((_B * _S,), jnp.float32)], axis=1)

    offs = np.concatenate([[0], np.cumsum(counts)])
    sfeats = []
    for i, nn in enumerate(_NNS):
        grows = rows[offs[i]:offs[i + 1]]
        crep = jnp.broadcast_to(
            centers4.reshape(_B * _S // _CTM, 1, _CTM, 4),
            (_B * _S // _CTM, nn, _CTM, 4)).reshape(-1, 4)
        sfeats.append(_run_scale(
            grows, crep, params['s%d_m1' % i], params['s%d_m2' % i], nn))

    cfeat = rows[offs[3]:offs[3] + _B * _S, 0:_STEM]
    tok = _run_token(cfeat, sfeats[0], sfeats[1], sfeats[2], centers4,
                     params['tp_m1'], params['tp_m2'])

    return tok.reshape(_B, _S, _TOKEN), patch_center

# --- scband reference (transcript-rebuilt; emitter-appended) ---
"""Pipeline reference for scband-multi-scale-patch-tokenizer-19224273617477 (READ-ONLY COPY).

The authoritative reference and input builder live on the scoring server;
editing this copy changes nothing except your own understanding.
"""

import jax, jax.numpy as jnp
import numpy as np

STEM = 64; TOKEN = 64; NUM_PATCHES = 512
RADII = (0.1, 0.2, 0.4); NEIGHBORS = (16, 32, 64)
POS_DIM = 24; CENTER_DIM = 96
B = 4; N = 8192


def sinusoidal_pos_emb_3d(xyz, dim):
    d = dim // 3
    half = d // 2
    freqs = jnp.exp(jnp.arange(half, dtype=jnp.float32) * (-np.log(10000.0) / max(half - 1, 1)))
    ang = xyz[..., None] * freqs
    emb = jnp.concatenate([jnp.sin(ang), jnp.cos(ang)], axis=-1)
    return emb.reshape(xyz.shape[:-1] + (dim,))


def index_points(points, idx):
    bidx = jnp.arange(points.shape[0]).reshape((points.shape[0],) + (1,) * (idx.ndim - 1))
    return points[bidx, idx]


def square_distance(a, b):
    return jnp.sum(a * a, -1)[:, :, None] + jnp.sum(b * b, -1)[:, None, :] - 2.0 * jnp.einsum('bsc,bnc->bsn', a, b)


def farthest_point_sample_idx(xyz, npoint):
    Bb, Nn, _ = xyz.shape
    def body(i, state):
        dist, far, idxs = state
        idxs = idxs.at[:, i].set(far)
        centroid = index_points(xyz, far[:, None])[:, 0]
        d = jnp.sum((xyz - centroid[:, None, :]) ** 2, axis=-1)
        dist = jnp.minimum(dist, d)
        far = jnp.argmax(dist, axis=-1).astype(jnp.int32)
        return (dist, far, idxs)
    dist0 = jnp.full((Bb, Nn), 1e10, jnp.float32)
    far0 = jnp.zeros((Bb,), jnp.int32)
    idxs0 = jnp.zeros((Bb, npoint), jnp.int32)
    _, _, idxs = jax.lax.fori_loop(0, npoint, body, (dist0, far0, idxs0))
    return idxs


def query_ball_point(radius, nsample, xyz, new_xyz):
    Bb, Nn, _ = xyz.shape
    S = new_xyz.shape[1]
    sqr = square_distance(new_xyz, xyz)
    gidx = jnp.broadcast_to(jnp.arange(Nn, dtype=jnp.int32), (Bb, S, Nn))
    gidx = jnp.where(sqr > radius * radius, Nn, gidx)
    gidx = jnp.sort(gidx, axis=-1)[:, :, :nsample]
    first = gidx[:, :, :1]
    gidx = jnp.where(gidx == Nn, jnp.broadcast_to(first, gidx.shape), gidx)
    return jnp.where(gidx == Nn, 0, gidx)


def point_mlp(x, p, act):
    y = x @ p['W'] + p['b']
    mu = jnp.mean(y, -1, keepdims=True)
    var = jnp.var(y, -1, keepdims=True)
    y = (y - mu) / jnp.sqrt(var + 1e-5) * p['g'] + p['beta']
    return jax.nn.gelu(y, approximate=False) if act else y


def _mlp_params(key, cin, cout):
    k1, k2 = jax.random.split(key)
    lim = 1.0 / np.sqrt(cin)
    return {'W': jax.random.uniform(k1, (cin, cout), jnp.float32, -lim, lim),
            'b': jax.random.uniform(k2, (cout,), jnp.float32, -lim, lim),
            'g': jnp.ones((cout,), jnp.float32),
            'beta': jnp.zeros((cout,), jnp.float32)}


def setup_inputs(seed: int = 0):
    key = jax.random.key(seed)
    kx, kf, kp = jax.random.split(key, 3)
    xyz = jax.random.uniform(kx, (B, N, 3), jnp.float32)
    feat = jax.random.normal(kf, (B, N, STEM), jnp.float32)
    params = {}
    keys = jax.random.split(kp, 2 * len(RADII) + 2)
    for i in range(len(RADII)):
        params['s%d_m1' % i] = _mlp_params(keys[2 * i], STEM + 3 + POS_DIM, TOKEN)
        params['s%d_m2' % i] = _mlp_params(keys[2 * i + 1], TOKEN, TOKEN)
    params['tp_m1'] = _mlp_params(keys[-2], STEM + len(RADII) * TOKEN + CENTER_DIM, TOKEN)
    params['tp_m2'] = _mlp_params(keys[-1], TOKEN, TOKEN)
    return {'xyz': xyz, 'point_feature': feat, 'params': params}


def _forward(xyz, point_feature, params):
    xyz_c = jax.lax.stop_gradient(xyz)
    cidx = farthest_point_sample_idx(xyz_c, NUM_PATCHES)
    patch_center = index_points(xyz, cidx)
    center_feature = index_points(point_feature, cidx)
    scale_feats = []
    for i, (radius, nn_) in enumerate(zip(RADII, NEIGHBORS)):
        nidx = query_ball_point(radius, nn_, xyz_c, jax.lax.stop_gradient(patch_center))
        gxyz = index_points(xyz, nidx)
        gfeat = index_points(point_feature, nidx)
        rel = gxyz - patch_center[:, :, None, :]
        relenc = sinusoidal_pos_emb_3d(rel, POS_DIM)
        h = jnp.concatenate([gfeat, rel, relenc], axis=-1)
        h = point_mlp(h, params['s%d_m1' % i], True)
        h = point_mlp(h, params['s%d_m2' % i], False)
        scale_feats.append(jnp.max(h, axis=2))
    cpos = sinusoidal_pos_emb_3d(patch_center, CENTER_DIM)
    tok = jnp.concatenate([center_feature] + scale_feats + [cpos], axis=-1)
    tok = point_mlp(tok, params['tp_m1'], True)
    tok = point_mlp(tok, params['tp_m2'], False)
    return tok, patch_center


def reference(xyz, point_feature, params):
    return _forward(xyz, point_feature, params)

if __name__ == "__main__":
    import jax
    _d = setup_inputs()
    print(jax.jit(kernel)(*tuple(_d.values())))

</pallas_src>

<mosaic_0001>
#map = affine_map<(d0, d1) -> (0, 0)>
#map1 = affine_map<(d0, d1) -> (0)>
module attributes {stable_mosaic.version = 14 : i64} {
  func.func @k(%arg0: i32, %arg1: i32, %arg2: memref<32768x80xf32, #tpu.memory_space<hbm>>, %arg3: memref<233472xi32, #tpu.memory_space<hbm>>, %arg4: memref<233472x80xf32, #tpu.memory_space<hbm>>, %arg5: memref<7296xi32, #tpu.memory_space<vmem>>, %arg6: memref<128x80xf32, #tpu.memory_space<vmem>>, %arg7: memref<!tpu.dma_semaphore, #tpu.memory_space<semaphore_mem>>) attributes {dimension_semantics = [#tpu.dimension_semantics<core_parallel>, #tpu.dimension_semantics<subcore_parallel>], iteration_bounds = array<i64: 2, 16>, scalar_prefetch = 0 : i64, scratch_operands = 3 : i64, tpu.core_type = #tpu.core_type<sc_vector_subcore>, window_params = [{transform_indices = #map}, {transform_indices = #map1}, {transform_indices = #map}]} {
    %mul3A = arith.constant 2 : i32
    %mul3A_0 = arith.muli %arg1, %mul3A : i32
    %add3A = arith.addi %mul3A_0, %arg0 : i32
    %mul3A_1 = arith.constant 7296 : i32
    %mul3A_2 = arith.muli %add3A, %mul3A_1 : i32
    "tpu.region"() ({
      %run_scoped3A = tpu.sem_alloc : memref<!tpu.dma_semaphore, #tpu.memory_space<semaphore_mem>>
      %dma_start3A = tpu.memref_slice %arg3[%mul3A_2] : memref<233472xi32, #tpu.memory_space<hbm>> -> memref<7296xi32, #tpu.memory_space<hbm>>
      %dma_start3A_8 = tpu.memref_slice %arg3[%mul3A_2] : memref<233472xi32, #tpu.memory_space<hbm>> -> memref<7296xi32, #tpu.memory_space<hbm>>
      tpu.enqueue_dma source(%dma_start3A_8 : memref<7296xi32, #tpu.memory_space<hbm>>) target(%arg5 : memref<7296xi32, #tpu.memory_space<vmem>>) target_semaphore(%run_scoped3A : memref<!tpu.dma_semaphore, #tpu.memory_space<semaphore_mem>>)
      %dma_wait3A = tpu.memref_slice %arg3[%mul3A_2] : memref<233472xi32, #tpu.memory_space<hbm>> -> memref<7296xi32, #tpu.memory_space<hbm>>
      %dma_wait3A_9 = tpu.memref_slice %arg3[%mul3A_2] : memref<233472xi32, #tpu.memory_space<hbm>> -> memref<7296xi32, #tpu.memory_space<hbm>>
      tpu.wait_dma2 semaphore(%run_scoped3A : memref<!tpu.dma_semaphore, #tpu.memory_space<semaphore_mem>>) src(%dma_wait3A_9 : memref<7296xi32, #tpu.memory_space<hbm>>) dst(%arg5 : memref<7296xi32, #tpu.memory_space<vmem>>)
      tpu.yield
    }) : () -> ()
    %scan3A = arith.constant 0 : i32
    %scan3A_3 = arith.constant 0 : i32
    %scan3A_4 = arith.constant 57 : i32
    %scan3A_5 = arith.addi %scan3A_3, %scan3A_4 : i32
    %scan3A_6 = arith.constant 1 : i32
    scf.for %scan3A_8 = %scan3A_3 to %scan3A_5 step %scan3A_6  : i32 {
      %mul3A_9 = arith.constant 128 : i32
      %mul3A_10 = arith.muli %scan3A_8, %mul3A_9 : i32
      %multiple_of3A = tpu.assume_multiple %mul3A_10, 128 : i32
      %dma_start3A = tpu.memref_slice %arg5[%multiple_of3A] : memref<7296xi32, #tpu.memory_space<vmem>> -> memref<128xi32, #tpu.memory_space<vmem>>
      %dma_start3A_11 = arith.constant 0 : i32
      %dma_start3A_12 = arith.constant 0 : i32
      %dma_start3A_13 = tpu.memref_slice %arg2[%dma_start3A_11, %dma_start3A_12] : memref<32768x80xf32, #tpu.memory_space<hbm>> -> memref<32768x80xf32, #tpu.memory_space<hbm>>
      tpu.enqueue_indirect_dma source(%dma_start3A_13 : memref<32768x80xf32, #tpu.memory_space<hbm>>) target(%arg6 : memref<128x80xf32, #tpu.memory_space<vmem>>) offsets(%dma_start3A : memref<128xi32, #tpu.memory_space<vmem>>) semaphore(%arg7 : memref<!tpu.dma_semaphore, #tpu.memory_space<semaphore_mem>>)
      %dma_wait3A = tpu.memref_slice %arg5[%multiple_of3A] : memref<7296xi32, #tpu.memory_space<vmem>> -> memref<128xi32, #tpu.memory_space<vmem>>
      %dma_wait3A_14 = arith.constant 0 : i32
      %dma_wait3A_15 = arith.constant 0 : i32
      %dma_wait3A_16 = tpu.memref_slice %arg2[%dma_wait3A_14, %dma_wait3A_15] : memref<32768x80xf32, #tpu.memory_space<hbm>> -> memref<32768x80xf32, #tpu.memory_space<hbm>>
      tpu.wait_indirect_dma semaphore(%arg7 : memref<!tpu.dma_semaphore, #tpu.memory_space<semaphore_mem>>) src(%dma_wait3A_16 : memref<32768x80xf32, #tpu.memory_space<hbm>>) dst(%arg6 : memref<128x80xf32, #tpu.memory_space<vmem>>)
      %add3A_17 = arith.addi %mul3A_2, %multiple_of3A : i32
      "tpu.region"() ({
        %run_scoped3A = tpu.sem_alloc : memref<!tpu.dma_semaphore, #tpu.memory_space<semaphore_mem>>
        %dma_start3A_18 = arith.constant 0 : i32
        %dma_start3A_19 = tpu.memref_slice %arg4[%add3A_17, %dma_start3A_18] : memref<233472x80xf32, #tpu.memory_space<hbm>> -> memref<128x80xf32, #tpu.memory_space<hbm>>
        %dma_start3A_20 = arith.constant 0 : i32
        %dma_start3A_21 = tpu.memref_slice %arg4[%add3A_17, %dma_start3A_20] : memref<233472x80xf32, #tpu.memory_space<hbm>> -> memref<128x80xf32, #tpu.memory_space<hbm>>
        tpu.enqueue_dma source(%arg6 : memref<128x80xf32, #tpu.memory_space<vmem>>) target(%dma_start3A_21 : memref<128x80xf32, #tpu.memory_space<hbm>>) target_semaphore(%run_scoped3A : memref<!tpu.dma_semaphore, #tpu.memory_space<semaphore_mem>>)
        %dma_wait3A_22 = arith.constant 0 : i32
        %dma_wait3A_23 = tpu.memref_slice %arg4[%add3A_17, %dma_wait3A_22] : memref<233472x80xf32, #tpu.memory_space<hbm>> -> memref<128x80xf32, #tpu.memory_space<hbm>>
        %dma_wait3A_24 = arith.constant 0 : i32
        %dma_wait3A_25 = tpu.memref_slice %arg4[%add3A_17, %dma_wait3A_24] : memref<233472x80xf32, #tpu.memory_space<hbm>> -> memref<128x80xf32, #tpu.memory_space<hbm>>
        tpu.wait_dma2 semaphore(%run_scoped3A : memref<!tpu.dma_semaphore, #tpu.memory_space<semaphore_mem>>) src(%arg6 : memref<128x80xf32, #tpu.memory_space<vmem>>) dst(%dma_wait3A_25 : memref<128x80xf32, #tpu.memory_space<hbm>>)
        tpu.yield
      }) : () -> ()
    }
    %scan3A_7 = arith.constant 57 : i32
    return
  }
}

module attributes {stable_mosaic.version = 14 : i64} {
  func.func @_fps_kernel(%arg0: memref<4x8192xf32, #tpu.memory_space<vmem>>, %arg1: memref<4x8192xf32, #tpu.memory_space<vmem>>, %arg2: memref<4x8192xf32, #tpu.memory_space<vmem>>, %arg3: memref<4x512xi32, #tpu.memory_space<vmem>>, %arg4: memref<4x512xf32, #tpu.memory_space<vmem>>, %arg5: memref<4x512xf32, #tpu.memory_space<vmem>>, %arg6: memref<4x512xf32, #tpu.memory_space<vmem>>) attributes {dimension_semantics = [], scalar_prefetch = 0 : i64, scratch_operands = 0 : i64, tpu.core_type = #tpu.core_type<tc>} {
    %get3A = arith.constant 0 : index
    %get3A_0 = arith.constant 0 : index
    %get3A_1 = vector.load %arg0[%get3A, %get3A_0] : memref<4x8192xf32, #tpu.memory_space<vmem>>, vector<4x8192xf32>
    %get3A_2 = arith.constant 0 : index
    %get3A_3 = arith.constant 0 : index
    %get3A_4 = vector.load %arg1[%get3A_2, %get3A_3] : memref<4x8192xf32, #tpu.memory_space<vmem>>, vector<4x8192xf32>
    %get3A_5 = arith.constant 0 : index
    %get3A_6 = arith.constant 0 : index
    %get3A_7 = vector.load %arg2[%get3A_5, %get3A_6] : memref<4x8192xf32, #tpu.memory_space<vmem>>, vector<4x8192xf32>
    %iota3A = tpu.iota {dimensions = array<i32: 1>} : vector<4x8192xi32>
    %iota3A_8 = tpu.iota {dimensions = array<i32: 1>} : vector<4x512xi32>
    %iota3A_9 = tpu.iota {dimensions = array<i32: 0>} : vector<4x1xi32>
    %mul3A = arith.constant 8192 : i32
    %mul3A_10 = vector.broadcast %mul3A : i32 to vector<4x1xi32>
    %mul3A_11 = arith.muli %iota3A_9, %mul3A_10 : vector<4x1xi32>
    %broadcast_in_dim3A = arith.constant 1.000000e+10 : f32
    %broadcast_in_dim3A_12 = vector.broadcast %broadcast_in_dim3A : f32 to vector<4x8192xf32>
    %broadcast_in_dim3A_13 = arith.constant 0 : i32
    %broadcast_in_dim3A_14 = vector.broadcast %broadcast_in_dim3A_13 : i32 to vector<4x1xi32>
    %broadcast_in_dim3A_15 = arith.constant 0 : i32
    %broadcast_in_dim3A_16 = vector.broadcast %broadcast_in_dim3A_15 : i32 to vector<4x512xi32>
    %broadcast_in_dim3A_17 = arith.constant 0.000000e+00 : f32
    %broadcast_in_dim3A_18 = vector.broadcast %broadcast_in_dim3A_17 : f32 to vector<4x512xf32>
    %scan3A = arith.constant 0 : i32
    %scan3A_19 = arith.constant 512 : i32
    %scan3A_20 = arith.addi %scan3A, %scan3A_19 : i32
    %scan3A_21 = arith.constant 1 : i32
    %scan3A_22:6 = scf.for %scan3A_35 = %scan3A to %scan3A_20 step %scan3A_21 iter_args(%scan3A_36 = %broadcast_in_dim3A_12, %scan3A_37 = %broadcast_in_dim3A_14, %scan3A_38 = %broadcast_in_dim3A_16, %scan3A_39 = %broadcast_in_dim3A_18, %scan3A_40 = %broadcast_in_dim3A_18, %scan3A_41 = %broadcast_in_dim3A_18) -> (vector<4x8192xf32>, vector<4x1xi32>, vector<4x512xi32>, vector<4x512xf32>, vector<4x512xf32>, vector<4x512xf32>)  : i32 {
      %eq3A = vector.broadcast %scan3A_37 : vector<4x1xi32> to vector<4x8192xi32>
      %eq3A_42 = arith.cmpi eq, %iota3A, %eq3A : vector<4x8192xi32>
      %jit3A = arith.constant 0.000000e+00 : f32
      %broadcast_in_dim3A_43 = vector.broadcast %jit3A : f32 to vector<4x8192xf32>
      %select_n3A = arith.select %eq3A_42, %get3A_1, %broadcast_in_dim3A_43 : vector<4x8192xi1>, vector<4x8192xf32>
      %reduce_sum3A = arith.constant dense<0.000000e+00> : vector<4xf32>
      %reduce_sum3A_44 = vector.multi_reduction <add>, %select_n3A, %reduce_sum3A [1] : vector<4x8192xf32> to vector<4xf32>
      %broadcast_in_dim3A_45 = vector.shape_cast %reduce_sum3A_44 : vector<4xf32> to vector<4x1xf32>
      %jit3A_46 = arith.constant 0.000000e+00 : f32
      %broadcast_in_dim3A_47 = vector.broadcast %jit3A_46 : f32 to vector<4x8192xf32>
      %select_n3A_48 = arith.select %eq3A_42, %get3A_4, %broadcast_in_dim3A_47 : vector<4x8192xi1>, vector<4x8192xf32>
      %reduce_sum3A_49 = arith.constant dense<0.000000e+00> : vector<4xf32>
      %reduce_sum3A_50 = vector.multi_reduction <add>, %select_n3A_48, %reduce_sum3A_49 [1] : vector<4x8192xf32> to vector<4xf32>
      %broadcast_in_dim3A_51 = vector.shape_cast %reduce_sum3A_50 : vector<4xf32> to vector<4x1xf32>
      %jit3A_52 = arith.constant 0.000000e+00 : f32
      %broadcast_in_dim3A_53 = vector.broadcast %jit3A_52 : f32 to vector<4x8192xf32>
      %select_n3A_54 = arith.select %eq3A_42, %get3A_7, %broadcast_in_dim3A_53 : vector<4x8192xi1>, vector<4x8192xf32>
      %reduce_sum3A_55 = arith.constant dense<0.000000e+00> : vector<4xf32>
      %reduce_sum3A_56 = vector.multi_reduction <add>, %select_n3A_54, %reduce_sum3A_55 [1] : vector<4x8192xf32> to vector<4xf32>
      %broadcast_in_dim3A_57 = vector.shape_cast %reduce_sum3A_56 : vector<4xf32> to vector<4x1xf32>
      %eq3A_58 = vector.broadcast %scan3A_35 : i32 to vector<4x512xi32>
      %eq3A_59 = arith.cmpi eq, %iota3A_8, %eq3A_58 : vector<4x512xi32>
      %add3A = arith.addi %scan3A_37, %mul3A_11 : vector<4x1xi32>
      %broadcast_in_dim3A_60 = vector.shape_cast %add3A : vector<4x1xi32> to vector<4x1xi32>
      %broadcast_in_dim3A_61 = vector.broadcast %broadcast_in_dim3A_60 : vector<4x1xi32> to vector<4x512xi32>
      %select_n3A_62 = arith.select %eq3A_59, %broadcast_in_dim3A_61, %scan3A_38 : vector<4x512xi1>, vector<4x512xi32>
      %broadcast_in_dim3A_63 = vector.shape_cast %broadcast_in_dim3A_45 : vector<4x1xf32> to vector<4x1xf32>
      %broadcast_in_dim3A_64 = vector.broadcast %broadcast_in_dim3A_63 : vector<4x1xf32> to vector<4x512xf32>
      %select_n3A_65 = arith.select %eq3A_59, %broadcast_in_dim3A_64, %scan3A_39 : vector<4x512xi1>, vector<4x512xf32>
      %broadcast_in_dim3A_66 = vector.shape_cast %broadcast_in_dim3A_51 : vector<4x1xf32> to vector<4x1xf32>
      %broadcast_in_dim3A_67 = vector.broadcast %broadcast_in_dim3A_66 : vector<4x1xf32> to vector<4x512xf32>
      %select_n3A_68 = arith.select %eq3A_59, %broadcast_in_dim3A_67, %scan3A_40 : vector<4x512xi1>, vector<4x512xf32>
      %broadcast_in_dim3A_69 = vector.shape_cast %broadcast_in_dim3A_57 : vector<4x1xf32> to vector<4x1xf32>
      %broadcast_in_dim3A_70 = vector.broadcast %broadcast_in_dim3A_69 : vector<4x1xf32> to vector<4x512xf32>
      %select_n3A_71 = arith.select %eq3A_59, %broadcast_in_dim3A_70, %scan3A_41 : vector<4x512xi1>, vector<4x512xf32>
      %sub3A = vector.broadcast %broadcast_in_dim3A_45 : vector<4x1xf32> to vector<4x8192xf32>
      %sub3A_72 = arith.subf %get3A_1, %sub3A : vector<4x8192xf32>
      %sub3A_73 = vector.broadcast %broadcast_in_dim3A_51 : vector<4x1xf32> to vector<4x8192xf32>
      %sub3A_74 = arith.subf %get3A_4, %sub3A_73 : vector<4x8192xf32>
      %sub3A_75 = vector.broadcast %broadcast_in_dim3A_57 : vector<4x1xf32> to vector<4x8192xf32>
      %sub3A_76 = arith.subf %get3A_7, %sub3A_75 : vector<4x8192xf32>
      %mul3A_77 = arith.mulf %sub3A_72, %sub3A_72 : vector<4x8192xf32>
      %mul3A_78 = arith.mulf %sub3A_74, %sub3A_74 : vector<4x8192xf32>
      %add3A_79 = arith.addf %mul3A_77, %mul3A_78 : vector<4x8192xf32>
      %mul3A_80 = arith.mulf %sub3A_76, %sub3A_76 : vector<4x8192xf32>
      %add3A_81 = arith.addf %add3A_79, %mul3A_80 : vector<4x8192xf32>
      %min3A = arith.minimumf %scan3A_36, %add3A_81 : vector<4x8192xf32>
      %reduce_max3A = arith.constant dense<0xFF800000> : vector<4xf32>
      %reduce_max3A_82 = vector.multi_reduction <maximumf>, %min3A, %reduce_max3A [1] : vector<4x8192xf32> to vector<4xf32>
      %broadcast_in_dim3A_83 = vector.shape_cast %reduce_max3A_82 : vector<4xf32> to vector<4x1xf32>
      %eq3A_84 = vector.broadcast %broadcast_in_dim3A_83 : vector<4x1xf32> to vector<4x8192xf32>
      %eq3A_85 = arith.cmpf oeq, %min3A, %eq3A_84 : vector<4x8192xf32>
      %jit3A_86 = arith.constant 8192 : i32
      %broadcast_in_dim3A_87 = vector.broadcast %jit3A_86 : i32 to vector<4x8192xi32>
      %select_n3A_88 = arith.select %eq3A_85, %iota3A, %broadcast_in_dim3A_87 : vector<4x8192xi1>, vector<4x8192xi32>
      %reduce_min3A = arith.constant dense<2147483647> : vector<4xi32>
      %reduce_min3A_89 = vector.multi_reduction <minsi>, %select_n3A_88, %reduce_min3A [1] : vector<4x8192xi32> to vector<4xi32>
      %broadcast_in_dim3A_90 = vector.shape_cast %reduce_min3A_89 : vector<4xi32> to vector<4x1xi32>
      scf.yield %min3A, %broadcast_in_dim3A_90, %select_n3A_62, %select_n3A_65, %select_n3A_68, %select_n3A_71 : vector<4x8192xf32>, vector<4x1xi32>, vector<4x512xi32>, vector<4x512xf32>, vector<4x512xf32>, vector<4x512xf32>
    }
    %scan3A_23 = arith.constant 512 : i32
    %swap3A = arith.constant 0 : index
    %swap3A_24 = arith.constant 0 : index
    %swap3A_25 = vector.load %arg3[%swap3A, %swap3A_24] : memref<4x512xi32, #tpu.memory_space<vmem>>, vector<4x512xi32>
    tpu.vector_store %arg3[%swap3A, %swap3A_24], %scan3A_22#2 {strides = array<i32>} : memref<4x512xi32, #tpu.memory_space<vmem>>, vector<4x512xi32>,
    %swap3A_26 = arith.constant 0 : index
    %swap3A_27 = arith.constant 0 : index
    %swap3A_28 = vector.load %arg4[%swap3A_26, %swap3A_27] : memref<4x512xf32, #tpu.memory_space<vmem>>, vector<4x512xf32>
    tpu.vector_store %arg4[%swap3A_26, %swap3A_27], %scan3A_22#3 {strides = array<i32>} : memref<4x512xf32, #tpu.memory_space<vmem>>, vector<4x512xf32>,
    %swap3A_29 = arith.constant 0 : index
    %swap3A_30 = arith.constant 0 : index
    %swap3A_31 = vector.load %arg5[%swap3A_29, %swap3A_30] : memref<4x512xf32, #tpu.memory_space<vmem>>, vector<4x512xf32>
    tpu.vector_store %arg5[%swap3A_29, %swap3A_30], %scan3A_22#4 {strides = array<i32>} : memref<4x512xf32, #tpu.memory_space<vmem>>, vector<4x512xf32>,
    %swap3A_32 = arith.constant 0 : index
    %swap3A_33 = arith.constant 0 : index
    %swap3A_34 = vector.load %arg6[%swap3A_32, %swap3A_33] : memref<4x512xf32, #tpu.memory_space<vmem>>, vector<4x512xf32>
    tpu.vector_store %arg6[%swap3A_32, %swap3A_33], %scan3A_22#5 {strides = array<i32>} : memref<4x512xf32, #tpu.memory_space<vmem>>, vector<4x512xf32>,
    return
  }
}

module attributes {stable_mosaic.version = 14 : i64} {
  func.func @_ballq_kernel(%arg0: i32, %arg1: i32, %arg2: memref<1x1x8192xf32, #tpu.memory_space<vmem>>, %arg3: memref<1x1x8192xf32, #tpu.memory_space<vmem>>, %arg4: memref<1x1x8192xf32, #tpu.memory_space<vmem>>, %arg5: memref<1x1x128x8xf32, #tpu.memory_space<vmem>>, %arg6: memref<1x128x16xi32, #tpu.memory_space<vmem>>) attributes {dimension_semantics = [#tpu.dimension_semantics<arbitrary>, #tpu.dimension_semantics<arbitrary>], iteration_bounds = array<i64: 4, 4>, scalar_prefetch = 0 : i64, scratch_operands = 0 : i64, tpu.core_type = #tpu.core_type<tc>, window_params = [{transform_indices = @transform_0, window_bounds = array<i64: 1, 1, 8192>}, {transform_indices = @transform_1, window_bounds = array<i64: 1, 1, 8192>}, {transform_indices = @transform_2, window_bounds = array<i64: 1, 1, 8192>}, {transform_indices = @transform_3, window_bounds = array<i64: 1, 1, 128, 8>}, {transform_indices = @transform_4, window_bounds = array<i64: 1, 128, 16>}]} {
    %get3A = arith.constant 0 : index
    %get3A_0 = arith.constant 0 : index
    %get3A_1 = arith.constant 0 : index
    %get3A_2 = vector.load %arg2[%get3A, %get3A_0, %get3A_1] : memref<1x1x8192xf32, #tpu.memory_space<vmem>>, vector<1x1x8192xf32>
    %get3A_3 = vector.shape_cast %get3A_2 : vector<1x1x8192xf32> to vector<1x8192xf32>
    %get3A_4 = arith.constant 0 : index
    %get3A_5 = arith.constant 0 : index
    %get3A_6 = arith.constant 0 : index
    %get3A_7 = vector.load %arg3[%get3A_4, %get3A_5, %get3A_6] : memref<1x1x8192xf32, #tpu.memory_space<vmem>>, vector<1x1x8192xf32>
    %get3A_8 = vector.shape_cast %get3A_7 : vector<1x1x8192xf32> to vector<1x8192xf32>
    %get3A_9 = arith.constant 0 : index
    %get3A_10 = arith.constant 0 : index
    %get3A_11 = arith.constant 0 : index
    %get3A_12 = vector.load %arg4[%get3A_9, %get3A_10, %get3A_11] : memref<1x1x8192xf32, #tpu.memory_space<vmem>>, vector<1x1x8192xf32>
    %get3A_13 = vector.shape_cast %get3A_12 : vector<1x1x8192xf32> to vector<1x8192xf32>
    %get3A_14 = arith.constant 0 : index
    %get3A_15 = arith.constant 0 : index
    %get3A_16 = arith.constant 0 : index
    %get3A_17 = arith.constant 0 : index
    %get3A_18 = vector.load %arg5[%get3A_14, %get3A_15, %get3A_16, %get3A_17] : memref<1x1x128x8xf32, #tpu.memory_space<vmem>>, vector<1x1x128x8xf32>
    %get3A_19 = vector.shape_cast %get3A_18 : vector<1x1x128x8xf32> to vector<128x8xf32>
    %iota3A = tpu.iota {dimensions = array<i32: 1>} : vector<128x8xi32>
    %eq3A = arith.constant 0 : i32
    %eq3A_20 = vector.broadcast %eq3A : i32 to vector<128x8xi32>
    %eq3A_21 = arith.cmpi eq, %iota3A, %eq3A_20 : vector<128x8xi32>
    %jit3A = arith.constant 0.000000e+00 : f32
    %broadcast_in_dim3A = vector.broadcast %jit3A : f32 to vector<128x8xf32>
    %select_n3A = arith.select %eq3A_21, %get3A_19, %broadcast_in_dim3A : vector<128x8xi1>, vector<128x8xf32>
    %reduce_sum3A = arith.constant dense<0.000000e+00> : vector<128xf32>
    %reduce_sum3A_22 = vector.multi_reduction <add>, %select_n3A, %reduce_sum3A [1] : vector<128x8xf32> to vector<128xf32>
    %broadcast_in_dim3A_23 = vector.shape_cast %reduce_sum3A_22 : vector<128xf32> to vector<128x1xf32>
    %eq3A_24 = arith.constant 1 : i32
    %eq3A_25 = vector.broadcast %eq3A_24 : i32 to vector<128x8xi32>
    %eq3A_26 = arith.cmpi eq, %iota3A, %eq3A_25 : vector<128x8xi32>
    %jit3A_27 = arith.constant 0.000000e+00 : f32
    %broadcast_in_dim3A_28 = vector.broadcast %jit3A_27 : f32 to vector<128x8xf32>
    %select_n3A_29 = arith.select %eq3A_26, %get3A_19, %broadcast_in_dim3A_28 : vector<128x8xi1>, vector<128x8xf32>
    %reduce_sum3A_30 = arith.constant dense<0.000000e+00> : vector<128xf32>
    %reduce_sum3A_31 = vector.multi_reduction <add>, %select_n3A_29, %reduce_sum3A_30 [1] : vector<128x8xf32> to vector<128xf32>
    %broadcast_in_dim3A_32 = vector.shape_cast %reduce_sum3A_31 : vector<128xf32> to vector<128x1xf32>
    %eq3A_33 = arith.constant 2 : i32
    %eq3A_34 = vector.broadcast %eq3A_33 : i32 to vector<128x8xi32>
    %eq3A_35 = arith.cmpi eq, %iota3A, %eq3A_34 : vector<128x8xi32>
    %jit3A_36 = arith.constant 0.000000e+00 : f32
    %broadcast_in_dim3A_37 = vector.broadcast %jit3A_36 : f32 to vector<128x8xf32>
    %select_n3A_38 = arith.select %eq3A_35, %get3A_19, %broadcast_in_dim3A_37 : vector<128x8xi1>, vector<128x8xf32>
    %reduce_sum3A_39 = arith.constant dense<0.000000e+00> : vector<128xf32>
    %reduce_sum3A_40 = vector.multi_reduction <add>, %select_n3A_38, %reduce_sum3A_39 [1] : vector<128x8xf32> to vector<128xf32>
    %broadcast_in_dim3A_41 = vector.shape_cast %reduce_sum3A_40 : vector<128xf32> to vector<128x1xf32>
    %mul3A = arith.mulf %broadcast_in_dim3A_23, %broadcast_in_dim3A_23 : vector<128x1xf32>
    %mul3A_42 = arith.mulf %broadcast_in_dim3A_32, %broadcast_in_dim3A_32 : vector<128x1xf32>
    %add3A = arith.addf %mul3A, %mul3A_42 : vector<128x1xf32>
    %mul3A_43 = arith.mulf %broadcast_in_dim3A_41, %broadcast_in_dim3A_41 : vector<128x1xf32>
    %add3A_44 = arith.addf %add3A, %mul3A_43 : vector<128x1xf32>
    %mul3A_45 = arith.mulf %get3A_3, %get3A_3 : vector<1x8192xf32>
    %mul3A_46 = arith.mulf %get3A_8, %get3A_8 : vector<1x8192xf32>
    %add3A_47 = arith.addf %mul3A_45, %mul3A_46 : vector<1x8192xf32>
    %mul3A_48 = arith.mulf %get3A_13, %get3A_13 : vector<1x8192xf32>
    %add3A_49 = arith.addf %add3A_47, %mul3A_48 : vector<1x8192xf32>
    %convert_element_type3A = arith.truncf %get3A_3 : vector<1x8192xf32> to vector<1x8192xbf16>
    %convert_element_type3A_50 = arith.extf %convert_element_type3A : vector<1x8192xbf16> to vector<1x8192xf32>
    %convert_element_type3A_51 = arith.truncf %get3A_8 : vector<1x8192xf32> to vector<1x8192xbf16>
    %convert_element_type3A_52 = arith.extf %convert_element_type3A_51 : vector<1x8192xbf16> to vector<1x8192xf32>
    %convert_element_type3A_53 = arith.truncf %get3A_13 : vector<1x8192xf32> to vector<1x8192xbf16>
    %convert_element_type3A_54 = arith.extf %convert_element_type3A_53 : vector<1x8192xbf16> to vector<1x8192xf32>
    %convert_element_type3A_55 = arith.truncf %broadcast_in_dim3A_23 : vector<128x1xf32> to vector<128x1xbf16>
    %convert_element_type3A_56 = arith.extf %convert_element_type3A_55 : vector<128x1xbf16> to vector<128x1xf32>
    %convert_element_type3A_57 = arith.truncf %broadcast_in_dim3A_32 : vector<128x1xf32> to vector<128x1xbf16>
    %convert_element_type3A_58 = arith.extf %convert_element_type3A_57 : vector<128x1xbf16> to vector<128x1xf32>
    %convert_element_type3A_59 = arith.truncf %broadcast_in_dim3A_41 : vector<128x1xf32> to vector<128x1xbf16>
    %convert_element_type3A_60 = arith.extf %convert_element_type3A_59 : vector<128x1xbf16> to vector<128x1xf32>
    %mul3A_61 = vector.broadcast %convert_element_type3A_56 : vector<128x1xf32> to vector<128x8192xf32>
    %mul3A_62 = vector.broadcast %convert_element_type3A_50 : vector<1x8192xf32> to vector<128x8192xf32>
    %mul3A_63 = arith.mulf %mul3A_61, %mul3A_62 : vector<128x8192xf32>
    %mul3A_64 = vector.broadcast %convert_element_type3A_58 : vector<128x1xf32> to vector<128x8192xf32>
    %mul3A_65 = vector.broadcast %convert_element_type3A_52 : vector<1x8192xf32> to vector<128x8192xf32>
    %mul3A_66 = arith.mulf %mul3A_64, %mul3A_65 : vector<128x8192xf32>
    %add3A_67 = arith.addf %mul3A_63, %mul3A_66 : vector<128x8192xf32>
    %mul3A_68 = vector.broadcast %convert_element_type3A_60 : vector<128x1xf32> to vector<128x8192xf32>
    %mul3A_69 = vector.broadcast %convert_element_type3A_54 : vector<1x8192xf32> to vector<128x8192xf32>
    %mul3A_70 = arith.mulf %mul3A_68, %mul3A_69 : vector<128x8192xf32>
    %add3A_71 = arith.addf %add3A_67, %mul3A_70 : vector<128x8192xf32>
    %add3A_72 = vector.broadcast %add3A_44 : vector<128x1xf32> to vector<128x8192xf32>
    %add3A_73 = vector.broadcast %add3A_49 : vector<1x8192xf32> to vector<128x8192xf32>
    %add3A_74 = arith.addf %add3A_72, %add3A_73 : vector<128x8192xf32>
    %mul3A_75 = arith.constant 2.000000e+00 : f32
    %mul3A_76 = vector.broadcast %mul3A_75 : f32 to vector<128x8192xf32>
    %mul3A_77 = arith.mulf %mul3A_76, %add3A_71 : vector<128x8192xf32>
    %sub3A = arith.subf %add3A_74, %mul3A_77 : vector<128x8192xf32>
    %iota3A_78 = tpu.iota {dimensions = array<i32: 1>} : vector<128x8192xi32>
    %convert_element_type3A_79 = arith.sitofp %iota3A_78 : vector<128x8192xi32> to vector<128x8192xf32>
    %gt3A = arith.constant 0.00999999977 : f32
    %gt3A_80 = vector.broadcast %gt3A : f32 to vector<128x8192xf32>
    %gt3A_81 = arith.cmpf ogt, %sub3A, %gt3A_80 : vector<128x8192xf32>
    %jit3A_82 = arith.constant 1.000000e+09 : f32
    %broadcast_in_dim3A_83 = vector.broadcast %jit3A_82 : f32 to vector<128x8192xf32>
    %select_n3A_84 = arith.select %gt3A_81, %broadcast_in_dim3A_83, %convert_element_type3A_79 : vector<128x8192xi1>, vector<128x8192xf32>
    %iota3A_85 = tpu.iota {dimensions = array<i32: 1>} : vector<128x16xi32>
    %broadcast_in_dim3A_86 = arith.constant 1.000000e+09 : f32
    %broadcast_in_dim3A_87 = vector.broadcast %broadcast_in_dim3A_86 : f32 to vector<128x16xf32>
    %scan3A = arith.constant 1.000000e+09 : f32
    %scan3A_88 = arith.constant 0 : i32
    %scan3A_89 = arith.constant 16 : i32
    %scan3A_90 = arith.addi %scan3A_88, %scan3A_89 : i32
    %scan3A_91 = arith.constant 1 : i32
    %scan3A_92:2 = scf.for %scan3A_114 = %scan3A_88 to %scan3A_90 step %scan3A_91 iter_args(%scan3A_115 = %select_n3A_84, %scan3A_116 = %broadcast_in_dim3A_87) -> (vector<128x8192xf32>, vector<128x16xf32>)  : i32 {
      %reduce_min3A = arith.constant dense<0x7F800000> : vector<128xf32>
      %reduce_min3A_117 = vector.multi_reduction <minimumf>, %scan3A_115, %reduce_min3A [1] : vector<128x8192xf32> to vector<128xf32>
      %broadcast_in_dim3A_118 = vector.shape_cast %reduce_min3A_117 : vector<128xf32> to vector<128x1xf32>
      %eq3A_119 = vector.broadcast %scan3A_114 : i32 to vector<128x16xi32>
      %eq3A_120 = arith.cmpi eq, %iota3A_85, %eq3A_119 : vector<128x16xi32>
      %broadcast_in_dim3A_121 = vector.shape_cast %broadcast_in_dim3A_118 : vector<128x1xf32> to vector<128x1xf32>
      %broadcast_in_dim3A_122 = vector.broadcast %broadcast_in_dim3A_121 : vector<128x1xf32> to vector<128x16xf32>
      %select_n3A_123 = arith.select %eq3A_120, %broadcast_in_dim3A_122, %scan3A_116 : vector<128x16xi1>, vector<128x16xf32>
      %eq3A_124 = vector.broadcast %broadcast_in_dim3A_118 : vector<128x1xf32> to vector<128x8192xf32>
      %eq3A_125 = arith.cmpf oeq, %scan3A_115, %eq3A_124 : vector<128x8192xf32>
      %broadcast_in_dim3A_126 = vector.broadcast %scan3A : f32 to vector<128x8192xf32>
      %select_n3A_127 = arith.select %eq3A_125, %broadcast_in_dim3A_126, %scan3A_115 : vector<128x8192xi1>, vector<128x8192xf32>
      scf.yield %select_n3A_127, %select_n3A_123 : vector<128x8192xf32>, vector<128x16xf32>
    }
    %scan3A_93 = arith.constant 16 : i32
    %slice3A = vector.extract_strided_slice %scan3A_92#1 {offsets = [0, 0], sizes = [128, 1], strides = [1, 1]} : vector<128x16xf32> to vector<128x1xf32>
    %eq3A_94 = arith.constant 1.000000e+09 : f32
    %eq3A_95 = vector.broadcast %eq3A_94 : f32 to vector<128x16xf32>
    %eq3A_96 = arith.cmpf oeq, %scan3A_92#1, %eq3A_95 : vector<128x16xf32>
    %broadcast_in_dim3A_97 = vector.shape_cast %slice3A : vector<128x1xf32> to vector<128x1xf32>
    %broadcast_in_dim3A_98 = vector.broadcast %broadcast_in_dim3A_97 : vector<128x1xf32> to vector<128x16xf32>
    %select_n3A_99 = arith.select %eq3A_96, %broadcast_in_dim3A_98, %scan3A_92#1 : vector<128x16xi1>, vector<128x16xf32>
    %eq3A_100 = arith.constant 1.000000e+09 : f32
    %eq3A_101 = vector.broadcast %eq3A_100 : f32 to vector<128x16xf32>
    %eq3A_102 = arith.cmpf oeq, %select_n3A_99, %eq3A_101 : vector<128x16xf32>
    %jit3A_103 = arith.constant 0.000000e+00 : f32
    %broadcast_in_dim3A_104 = vector.broadcast %jit3A_103 : f32 to vector<128x16xf32>
    %select_n3A_105 = arith.select %eq3A_102, %broadcast_in_dim3A_104, %select_n3A_99 : vector<128x16xi1>, vector<128x16xf32>
    %convert_element_type3A_106 = arith.fptosi %select_n3A_105 : vector<128x16xf32> to vector<128x16xi32>
    %mul3A_107 = arith.constant 8192 : i32
    %mul3A_108 = arith.muli %arg0, %mul3A_107 : i32
    %add3A_109 = vector.broadcast %mul3A_108 : i32 to vector<128x16xi32>
    %add3A_110 = arith.addi %convert_element_type3A_106, %add3A_109 : vector<128x16xi32>
    %reshape3A = vector.shape_cast %add3A_110 : vector<128x16xi32> to vector<1x128x16xi32>
    %swap3A = arith.constant 0 : index
    %swap3A_111 = arith.constant 0 : index
    %swap3A_112 = arith.constant 0 : index
    %swap3A_113 = vector.load %arg6[%swap3A, %swap3A_111, %swap3A_112] : memref<1x128x16xi32, #tpu.memory_space<vmem>>, vector<1x128x16xi32>
    tpu.vector_store %arg6[%swap3A, %swap3A_111, %swap3A_112], %reshape3A {strides = array<i32>} : memref<1x128x16xi32, #tpu.memory_space<vmem>>, vector<1x128x16xi32>,
    return
  }
  func.func @transform_0(%arg0: i32, %arg1: i32) -> (i32, i32, i32) {
    %c0_i32 = arith.constant 0 : i32
    %c0_i32_0 = arith.constant 0 : i32
    %c0_i32_1 = arith.constant 0 : i32
    return %arg0, %c0_i32, %c0_i32_0 : i32, i32, i32
  }
  func.func @transform_1(%arg0: i32, %arg1: i32) -> (i32, i32, i32) {
    %c0_i32 = arith.constant 0 : i32
    %c0_i32_0 = arith.constant 0 : i32
    %c0_i32_1 = arith.constant 0 : i32
    return %arg0, %c0_i32, %c0_i32_0 : i32, i32, i32
  }
  func.func @transform_2(%arg0: i32, %arg1: i32) -> (i32, i32, i32) {
    %c0_i32 = arith.constant 0 : i32
    %c0_i32_0 = arith.constant 0 : i32
    %c0_i32_1 = arith.constant 0 : i32
    return %arg0, %c0_i32, %c0_i32_0 : i32, i32, i32
  }
  func.func @transform_3(%arg0: i32, %arg1: i32) -> (i32, i32, i32, i32) {
    %c0_i32 = arith.constant 0 : i32
    %c0_i32_0 = arith.constant 0 : i32
    %c0_i32_1 = arith.constant 0 : i32
    return %arg0, %arg1, %c0_i32, %c0_i32_0 : i32, i32, i32, i32
  }
  func.func @transform_4(%arg0: i32, %arg1: i32) -> (i32, i32, i32) {
    %c0_i32 = arith.constant 0 : i32
    %c0_i32_0 = arith.constant 0 : i32
    return %arg0, %arg1, %c0_i32 : i32, i32, i32
  }
}

module attributes {stable_mosaic.version = 14 : i64} {
  func.func @_ballq_kernel(%arg0: i32, %arg1: i32, %arg2: memref<1x1x8192xf32, #tpu.memory_space<vmem>>, %arg3: memref<1x1x8192xf32, #tpu.memory_space<vmem>>, %arg4: memref<1x1x8192xf32, #tpu.memory_space<vmem>>, %arg5: memref<1x1x128x8xf32, #tpu.memory_space<vmem>>, %arg6: memref<1x128x32xi32, #tpu.memory_space<vmem>>) attributes {dimension_semantics = [#tpu.dimension_semantics<arbitrary>, #tpu.dimension_semantics<arbitrary>], iteration_bounds = array<i64: 4, 4>, scalar_prefetch = 0 : i64, scratch_operands = 0 : i64, tpu.core_type = #tpu.core_type<tc>, window_params = [{transform_indices = @transform_0, window_bounds = array<i64: 1, 1, 8192>}, {transform_indices = @transform_1, window_bounds = array<i64: 1, 1, 8192>}, {transform_indices = @transform_2, window_bounds = array<i64: 1, 1, 8192>}, {transform_indices = @transform_3, window_bounds = array<i64: 1, 1, 128, 8>}, {transform_indices = @transform_4, window_bounds = array<i64: 1, 128, 32>}]} {
    %get3A = arith.constant 0 : index
    %get3A_0 = arith.constant 0 : index
    %get3A_1 = arith.constant 0 : index
    %get3A_2 = vector.load %arg2[%get3A, %get3A_0, %get3A_1] : memref<1x1x8192xf32, #tpu.memory_space<vmem>>, vector<1x1x8192xf32>
    %get3A_3 = vector.shape_cast %get3A_2 : vector<1x1x8192xf32> to vector<1x8192xf32>
    %get3A_4 = arith.constant 0 : index
    %get3A_5 = arith.constant 0 : index
    %get3A_6 = arith.constant 0 : index
    %get3A_7 = vector.load %arg3[%get3A_4, %get3A_5, %get3A_6] : memref<1x1x8192xf32, #tpu.memory_space<vmem>>, vector<1x1x8192xf32>
    %get3A_8 = vector.shape_cast %get3A_7 : vector<1x1x8192xf32> to vector<1x8192xf32>
    %get3A_9 = arith.constant 0 : index
    %get3A_10 = arith.constant 0 : index
    %get3A_11 = arith.constant 0 : index
    %get3A_12 = vector.load %arg4[%get3A_9, %get3A_10, %get3A_11] : memref<1x1x8192xf32, #tpu.memory_space<vmem>>, vector<1x1x8192xf32>
    %get3A_13 = vector.shape_cast %get3A_12 : vector<1x1x8192xf32> to vector<1x8192xf32>
    %get3A_14 = arith.constant 0 : index
    %get3A_15 = arith.constant 0 : index
    %get3A_16 = arith.constant 0 : index
    %get3A_17 = arith.constant 0 : index
    %get3A_18 = vector.load %arg5[%get3A_14, %get3A_15, %get3A_16, %get3A_17] : memref<1x1x128x8xf32, #tpu.memory_space<vmem>>, vector<1x1x128x8xf32>
    %get3A_19 = vector.shape_cast %get3A_18 : vector<1x1x128x8xf32> to vector<128x8xf32>
    %iota3A = tpu.iota {dimensions = array<i32: 1>} : vector<128x8xi32>
    %eq3A = arith.constant 0 : i32
    %eq3A_20 = vector.broadcast %eq3A : i32 to vector<128x8xi32>
    %eq3A_21 = arith.cmpi eq, %iota3A, %eq3A_20 : vector<128x8xi32>
    %jit3A = arith.constant 0.000000e+00 : f32
    %broadcast_in_dim3A = vector.broadcast %jit3A : f32 to vector<128x8xf32>
    %select_n3A = arith.select %eq3A_21, %get3A_19, %broadcast_in_dim3A : vector<128x8xi1>, vector<128x8xf32>
    %reduce_sum3A = arith.constant dense<0.000000e+00> : vector<128xf32>
    %reduce_sum3A_22 = vector.multi_reduction <add>, %select_n3A, %reduce_sum3A [1] : vector<128x8xf32> to vector<128xf32>
    %broadcast_in_dim3A_23 = vector.shape_cast %reduce_sum3A_22 : vector<128xf32> to vector<128x1xf32>
    %eq3A_24 = arith.constant 1 : i32
    %eq3A_25 = vector.broadcast %eq3A_24 : i32 to vector<128x8xi32>
    %eq3A_26 = arith.cmpi eq, %iota3A, %eq3A_25 : vector<128x8xi32>
    %jit3A_27 = arith.constant 0.000000e+00 : f32
    %broadcast_in_dim3A_28 = vector.broadcast %jit3A_27 : f32 to vector<128x8xf32>
    %select_n3A_29 = arith.select %eq3A_26, %get3A_19, %broadcast_in_dim3A_28 : vector<128x8xi1>, vector<128x8xf32>
    %reduce_sum3A_30 = arith.constant dense<0.000000e+00> : vector<128xf32>
    %reduce_sum3A_31 = vector.multi_reduction <add>, %select_n3A_29, %reduce_sum3A_30 [1] : vector<128x8xf32> to vector<128xf32>
    %broadcast_in_dim3A_32 = vector.shape_cast %reduce_sum3A_31 : vector<128xf32> to vector<128x1xf32>
    %eq3A_33 = arith.constant 2 : i32
    %eq3A_34 = vector.broadcast %eq3A_33 : i32 to vector<128x8xi32>
    %eq3A_35 = arith.cmpi eq, %iota3A, %eq3A_34 : vector<128x8xi32>
    %jit3A_36 = arith.constant 0.000000e+00 : f32
    %broadcast_in_dim3A_37 = vector.broadcast %jit3A_36 : f32 to vector<128x8xf32>
    %select_n3A_38 = arith.select %eq3A_35, %get3A_19, %broadcast_in_dim3A_37 : vector<128x8xi1>, vector<128x8xf32>
    %reduce_sum3A_39 = arith.constant dense<0.000000e+00> : vector<128xf32>
    %reduce_sum3A_40 = vector.multi_reduction <add>, %select_n3A_38, %reduce_sum3A_39 [1] : vector<128x8xf32> to vector<128xf32>
    %broadcast_in_dim3A_41 = vector.shape_cast %reduce_sum3A_40 : vector<128xf32> to vector<128x1xf32>
    %mul3A = arith.mulf %broadcast_in_dim3A_23, %broadcast_in_dim3A_23 : vector<128x1xf32>
    %mul3A_42 = arith.mulf %broadcast_in_dim3A_32, %broadcast_in_dim3A_32 : vector<128x1xf32>
    %add3A = arith.addf %mul3A, %mul3A_42 : vector<128x1xf32>
    %mul3A_43 = arith.mulf %broadcast_in_dim3A_41, %broadcast_in_dim3A_41 : vector<128x1xf32>
    %add3A_44 = arith.addf %add3A, %mul3A_43 : vector<128x1xf32>
    %mul3A_45 = arith.mulf %get3A_3, %get3A_3 : vector<1x8192xf32>
    %mul3A_46 = arith.mulf %get3A_8, %get3A_8 : vector<1x8192xf32>
    %add3A_47 = arith.addf %mul3A_45, %mul3A_46 : vector<1x8192xf32>
    %mul3A_48 = arith.mulf %get3A_13, %get3A_13 : vector<1x8192xf32>
    %add3A_49 = arith.addf %add3A_47, %mul3A_48 : vector<1x8192xf32>
    %convert_element_type3A = arith.truncf %get3A_3 : vector<1x8192xf32> to vector<1x8192xbf16>
    %convert_element_type3A_50 = arith.extf %convert_element_type3A : vector<1x8192xbf16> to vector<1x8192xf32>
    %convert_element_type3A_51 = arith.truncf %get3A_8 : vector<1x8192xf32> to vector<1x8192xbf16>
    %convert_element_type3A_52 = arith.extf %convert_element_type3A_51 : vector<1x8192xbf16> to vector<1x8192xf32>
    %convert_element_type3A_53 = arith.truncf %get3A_13 : vector<1x8192xf32> to vector<1x8192xbf16>
    %convert_element_type3A_54 = arith.extf %convert_element_type3A_53 : vector<1x8192xbf16> to vector<1x8192xf32>
    %convert_element_type3A_55 = arith.truncf %broadcast_in_dim3A_23 : vector<128x1xf32> to vector<128x1xbf16>
    %convert_element_type3A_56 = arith.extf %convert_element_type3A_55 : vector<128x1xbf16> to vector<128x1xf32>
    %convert_element_type3A_57 = arith.truncf %broadcast_in_dim3A_32 : vector<128x1xf32> to vector<128x1xbf16>
    %convert_element_type3A_58 = arith.extf %convert_element_type3A_57 : vector<128x1xbf16> to vector<128x1xf32>
    %convert_element_type3A_59 = arith.truncf %broadcast_in_dim3A_41 : vector<128x1xf32> to vector<128x1xbf16>
    %convert_element_type3A_60 = arith.extf %convert_element_type3A_59 : vector<128x1xbf16> to vector<128x1xf32>
    %mul3A_61 = vector.broadcast %convert_element_type3A_56 : vector<128x1xf32> to vector<128x8192xf32>
    %mul3A_62 = vector.broadcast %convert_element_type3A_50 : vector<1x8192xf32> to vector<128x8192xf32>
    %mul3A_63 = arith.mulf %mul3A_61, %mul3A_62 : vector<128x8192xf32>
    %mul3A_64 = vector.broadcast %convert_element_type3A_58 : vector<128x1xf32> to vector<128x8192xf32>
    %mul3A_65 = vector.broadcast %convert_element_type3A_52 : vector<1x8192xf32> to vector<128x8192xf32>
    %mul3A_66 = arith.mulf %mul3A_64, %mul3A_65 : vector<128x8192xf32>
    %add3A_67 = arith.addf %mul3A_63, %mul3A_66 : vector<128x8192xf32>
    %mul3A_68 = vector.broadcast %convert_element_type3A_60 : vector<128x1xf32> to vector<128x8192xf32>
    %mul3A_69 = vector.broadcast %convert_element_type3A_54 : vector<1x8192xf32> to vector<128x8192xf32>
    %mul3A_70 = arith.mulf %mul3A_68, %mul3A_69 : vector<128x8192xf32>
    %add3A_71 = arith.addf %add3A_67, %mul3A_70 : vector<128x8192xf32>
    %add3A_72 = vector.broadcast %add3A_44 : vector<128x1xf32> to vector<128x8192xf32>
    %add3A_73 = vector.broadcast %add3A_49 : vector<1x8192xf32> to vector<128x8192xf32>
    %add3A_74 = arith.addf %add3A_72, %add3A_73 : vector<128x8192xf32>
    %mul3A_75 = arith.constant 2.000000e+00 : f32
    %mul3A_76 = vector.broadcast %mul3A_75 : f32 to vector<128x8192xf32>
    %mul3A_77 = arith.mulf %mul3A_76, %add3A_71 : vector<128x8192xf32>
    %sub3A = arith.subf %add3A_74, %mul3A_77 : vector<128x8192xf32>
    %iota3A_78 = tpu.iota {dimensions = array<i32: 1>} : vector<128x8192xi32>
    %convert_element_type3A_79 = arith.sitofp %iota3A_78 : vector<128x8192xi32> to vector<128x8192xf32>
    %gt3A = arith.constant 4.000000e-02 : f32
    %gt3A_80 = vector.broadcast %gt3A : f32 to vector<128x8192xf32>
    %gt3A_81 = arith.cmpf ogt, %sub3A, %gt3A_80 : vector<128x8192xf32>
    %jit3A_82 = arith.constant 1.000000e+09 : f32
    %broadcast_in_dim3A_83 = vector.broadcast %jit3A_82 : f32 to vector<128x8192xf32>
    %select_n3A_84 = arith.select %gt3A_81, %broadcast_in_dim3A_83, %convert_element_type3A_79 : vector<128x8192xi1>, vector<128x8192xf32>
    %iota3A_85 = tpu.iota {dimensions = array<i32: 1>} : vector<128x32xi32>
    %broadcast_in_dim3A_86 = arith.constant 1.000000e+09 : f32
    %broadcast_in_dim3A_87 = vector.broadcast %broadcast_in_dim3A_86 : f32 to vector<128x32xf32>
    %scan3A = arith.constant 1.000000e+09 : f32
    %scan3A_88 = arith.constant 0 : i32
    %scan3A_89 = arith.constant 32 : i32
    %scan3A_90 = arith.addi %scan3A_88, %scan3A_89 : i32
    %scan3A_91 = arith.constant 1 : i32
    %scan3A_92:2 = scf.for %scan3A_114 = %scan3A_88 to %scan3A_90 step %scan3A_91 iter_args(%scan3A_115 = %select_n3A_84, %scan3A_116 = %broadcast_in_dim3A_87) -> (vector<128x8192xf32>, vector<128x32xf32>)  : i32 {
      %reduce_min3A = arith.constant dense<0x7F800000> : vector<128xf32>
      %reduce_min3A_117 = vector.multi_reduction <minimumf>, %scan3A_115, %reduce_min3A [1] : vector<128x8192xf32> to vector<128xf32>
      %broadcast_in_dim3A_118 = vector.shape_cast %reduce_min3A_117 : vector<128xf32> to vector<128x1xf32>
      %eq3A_119 = vector.broadcast %scan3A_114 : i32 to vector<128x32xi32>
      %eq3A_120 = arith.cmpi eq, %iota3A_85, %eq3A_119 : vector<128x32xi32>
      %broadcast_in_dim3A_121 = vector.shape_cast %broadcast_in_dim3A_118 : vector<128x1xf32> to vector<128x1xf32>
      %broadcast_in_dim3A_122 = vector.broadcast %broadcast_in_dim3A_121 : vector<128x1xf32> to vector<128x32xf32>
      %select_n3A_123 = arith.select %eq3A_120, %broadcast_in_dim3A_122, %scan3A_116 : vector<128x32xi1>, vector<128x32xf32>
      %eq3A_124 = vector.broadcast %broadcast_in_dim3A_118 : vector<128x1xf32> to vector<128x8192xf32>
      %eq3A_125 = arith.cmpf oeq, %scan3A_115, %eq3A_124 : vector<128x8192xf32>
      %broadcast_in_dim3A_126 = vector.broadcast %scan3A : f32 to vector<128x8192xf32>
      %select_n3A_127 = arith.select %eq3A_125, %broadcast_in_dim3A_126, %scan3A_115 : vector<128x8192xi1>, vector<128x8192xf32>
      scf.yield %select_n3A_127, %select_n3A_123 : vector<128x8192xf32>, vector<128x32xf32>
    }
    %scan3A_93 = arith.constant 32 : i32
    %slice3A = vector.extract_strided_slice %scan3A_92#1 {offsets = [0, 0], sizes = [128, 1], strides = [1, 1]} : vector<128x32xf32> to vector<128x1xf32>
    %eq3A_94 = arith.constant 1.000000e+09 : f32
    %eq3A_95 = vector.broadcast %eq3A_94 : f32 to vector<128x32xf32>
    %eq3A_96 = arith.cmpf oeq, %scan3A_92#1, %eq3A_95 : vector<128x32xf32>
    %broadcast_in_dim3A_97 = vector.shape_cast %slice3A : vector<128x1xf32> to vector<128x1xf32>
    %broadcast_in_dim3A_98 = vector.broadcast %broadcast_in_dim3A_97 : vector<128x1xf32> to vector<128x32xf32>
    %select_n3A_99 = arith.select %eq3A_96, %broadcast_in_dim3A_98, %scan3A_92#1 : vector<128x32xi1>, vector<128x32xf32>
    %eq3A_100 = arith.constant 1.000000e+09 : f32
    %eq3A_101 = vector.broadcast %eq3A_100 : f32 to vector<128x32xf32>
    %eq3A_102 = arith.cmpf oeq, %select_n3A_99, %eq3A_101 : vector<128x32xf32>
    %jit3A_103 = arith.constant 0.000000e+00 : f32
    %broadcast_in_dim3A_104 = vector.broadcast %jit3A_103 : f32 to vector<128x32xf32>
    %select_n3A_105 = arith.select %eq3A_102, %broadcast_in_dim3A_104, %select_n3A_99 : vector<128x32xi1>, vector<128x32xf32>
    %convert_element_type3A_106 = arith.fptosi %select_n3A_105 : vector<128x32xf32> to vector<128x32xi32>
    %mul3A_107 = arith.constant 8192 : i32
    %mul3A_108 = arith.muli %arg0, %mul3A_107 : i32
    %add3A_109 = vector.broadcast %mul3A_108 : i32 to vector<128x32xi32>
    %add3A_110 = arith.addi %convert_element_type3A_106, %add3A_109 : vector<128x32xi32>
    %reshape3A = vector.shape_cast %add3A_110 : vector<128x32xi32> to vector<1x128x32xi32>
    %swap3A = arith.constant 0 : index
    %swap3A_111 = arith.constant 0 : index
    %swap3A_112 = arith.constant 0 : index
    %swap3A_113 = vector.load %arg6[%swap3A, %swap3A_111, %swap3A_112] : memref<1x128x32xi32, #tpu.memory_space<vmem>>, vector<1x128x32xi32>
    tpu.vector_store %arg6[%swap3A, %swap3A_111, %swap3A_112], %reshape3A {strides = array<i32>} : memref<1x128x32xi32, #tpu.memory_space<vmem>>, vector<1x128x32xi32>,
    return
  }
  func.func @transform_0(%arg0: i32, %arg1: i32) -> (i32, i32, i32) {
    %c0_i32 = arith.constant 0 : i32
    %c0_i32_0 = arith.constant 0 : i32
    %c0_i32_1 = arith.constant 0 : i32
    return %arg0, %c0_i32, %c0_i32_0 : i32, i32, i32
  }
  func.func @transform_1(%arg0: i32, %arg1: i32) -> (i32, i32, i32) {
    %c0_i32 = arith.constant 0 : i32
    %c0_i32_0 = arith.constant 0 : i32
    %c0_i32_1 = arith.constant 0 : i32
    return %arg0, %c0_i32, %c0_i32_0 : i32, i32, i32
  }
  func.func @transform_2(%arg0: i32, %arg1: i32) -> (i32, i32, i32) {
    %c0_i32 = arith.constant 0 : i32
    %c0_i32_0 = arith.constant 0 : i32
    %c0_i32_1 = arith.constant 0 : i32
    return %arg0, %c0_i32, %c0_i32_0 : i32, i32, i32
  }
  func.func @transform_3(%arg0: i32, %arg1: i32) -> (i32, i32, i32, i32) {
    %c0_i32 = arith.constant 0 : i32
    %c0_i32_0 = arith.constant 0 : i32
    %c0_i32_1 = arith.constant 0 : i32
    return %arg0, %arg1, %c0_i32, %c0_i32_0 : i32, i32, i32, i32
  }
  func.func @transform_4(%arg0: i32, %arg1: i32) -> (i32, i32, i32) {
    %c0_i32 = arith.constant 0 : i32
    %c0_i32_0 = arith.constant 0 : i32
    return %arg0, %arg1, %c0_i32 : i32, i32, i32
  }
}

module attributes {stable_mosaic.version = 14 : i64} {
  func.func @_ballq_kernel(%arg0: i32, %arg1: i32, %arg2: memref<1x1x8192xf32, #tpu.memory_space<vmem>>, %arg3: memref<1x1x8192xf32, #tpu.memory_space<vmem>>, %arg4: memref<1x1x8192xf32, #tpu.memory_space<vmem>>, %arg5: memref<1x1x128x8xf32, #tpu.memory_space<vmem>>, %arg6: memref<1x128x64xi32, #tpu.memory_space<vmem>>) attributes {dimension_semantics = [#tpu.dimension_semantics<arbitrary>, #tpu.dimension_semantics<arbitrary>], iteration_bounds = array<i64: 4, 4>, scalar_prefetch = 0 : i64, scratch_operands = 0 : i64, tpu.core_type = #tpu.core_type<tc>, window_params = [{transform_indices = @transform_0, window_bounds = array<i64: 1, 1, 8192>}, {transform_indices = @transform_1, window_bounds = array<i64: 1, 1, 8192>}, {transform_indices = @transform_2, window_bounds = array<i64: 1, 1, 8192>}, {transform_indices = @transform_3, window_bounds = array<i64: 1, 1, 128, 8>}, {transform_indices = @transform_4, window_bounds = array<i64: 1, 128, 64>}]} {
    %get3A = arith.constant 0 : index
    %get3A_0 = arith.constant 0 : index
    %get3A_1 = arith.constant 0 : index
    %get3A_2 = vector.load %arg2[%get3A, %get3A_0, %get3A_1] : memref<1x1x8192xf32, #tpu.memory_space<vmem>>, vector<1x1x8192xf32>
    %get3A_3 = vector.shape_cast %get3A_2 : vector<1x1x8192xf32> to vector<1x8192xf32>
    %get3A_4 = arith.constant 0 : index
    %get3A_5 = arith.constant 0 : index
    %get3A_6 = arith.constant 0 : index
    %get3A_7 = vector.load %arg3[%get3A_4, %get3A_5, %get3A_6] : memref<1x1x8192xf32, #tpu.memory_space<vmem>>, vector<1x1x8192xf32>
    %get3A_8 = vector.shape_cast %get3A_7 : vector<1x1x8192xf32> to vector<1x8192xf32>
    %get3A_9 = arith.constant 0 : index
    %get3A_10 = arith.constant 0 : index
    %get3A_11 = arith.constant 0 : index
    %get3A_12 = vector.load %arg4[%get3A_9, %get3A_10, %get3A_11] : memref<1x1x8192xf32, #tpu.memory_space<vmem>>, vector<1x1x8192xf32>
    %get3A_13 = vector.shape_cast %get3A_12 : vector<1x1x8192xf32> to vector<1x8192xf32>
    %get3A_14 = arith.constant 0 : index
    %get3A_15 = arith.constant 0 : index
    %get3A_16 = arith.constant 0 : index
    %get3A_17 = arith.constant 0 : index
    %get3A_18 = vector.load %arg5[%get3A_14, %get3A_15, %get3A_16, %get3A_17] : memref<1x1x128x8xf32, #tpu.memory_space<vmem>>, vector<1x1x128x8xf32>
    %get3A_19 = vector.shape_cast %get3A_18 : vector<1x1x128x8xf32> to vector<128x8xf32>
    %iota3A = tpu.iota {dimensions = array<i32: 1>} : vector<128x8xi32>
    %eq3A = arith.constant 0 : i32
    %eq3A_20 = vector.broadcast %eq3A : i32 to vector<128x8xi32>
    %eq3A_21 = arith.cmpi eq, %iota3A, %eq3A_20 : vector<128x8xi32>
    %jit3A = arith.constant 0.000000e+00 : f32
    %broadcast_in_dim3A = vector.broadcast %jit3A : f32 to vector<128x8xf32>
    %select_n3A = arith.select %eq3A_21, %get3A_19, %broadcast_in_dim3A : vector<128x8xi1>, vector<128x8xf32>
    %reduce_sum3A = arith.constant dense<0.000000e+00> : vector<128xf32>
    %reduce_sum3A_22 = vector.multi_reduction <add>, %select_n3A, %reduce_sum3A [1] : vector<128x8xf32> to vector<128xf32>
    %broadcast_in_dim3A_23 = vector.shape_cast %reduce_sum3A_22 : vector<128xf32> to vector<128x1xf32>
    %eq3A_24 = arith.constant 1 : i32
    %eq3A_25 = vector.broadcast %eq3A_24 : i32 to vector<128x8xi32>
    %eq3A_26 = arith.cmpi eq, %iota3A, %eq3A_25 : vector<128x8xi32>
    %jit3A_27 = arith.constant 0.000000e+00 : f32
    %broadcast_in_dim3A_28 = vector.broadcast %jit3A_27 : f32 to vector<128x8xf32>
    %select_n3A_29 = arith.select %eq3A_26, %get3A_19, %broadcast_in_dim3A_28 : vector<128x8xi1>, vector<128x8xf32>
    %reduce_sum3A_30 = arith.constant dense<0.000000e+00> : vector<128xf32>
    %reduce_sum3A_31 = vector.multi_reduction <add>, %select_n3A_29, %reduce_sum3A_30 [1] : vector<128x8xf32> to vector<128xf32>
    %broadcast_in_dim3A_32 = vector.shape_cast %reduce_sum3A_31 : vector<128xf32> to vector<128x1xf32>
    %eq3A_33 = arith.constant 2 : i32
    %eq3A_34 = vector.broadcast %eq3A_33 : i32 to vector<128x8xi32>
    %eq3A_35 = arith.cmpi eq, %iota3A, %eq3A_34 : vector<128x8xi32>
    %jit3A_36 = arith.constant 0.000000e+00 : f32
    %broadcast_in_dim3A_37 = vector.broadcast %jit3A_36 : f32 to vector<128x8xf32>
    %select_n3A_38 = arith.select %eq3A_35, %get3A_19, %broadcast_in_dim3A_37 : vector<128x8xi1>, vector<128x8xf32>
    %reduce_sum3A_39 = arith.constant dense<0.000000e+00> : vector<128xf32>
    %reduce_sum3A_40 = vector.multi_reduction <add>, %select_n3A_38, %reduce_sum3A_39 [1] : vector<128x8xf32> to vector<128xf32>
    %broadcast_in_dim3A_41 = vector.shape_cast %reduce_sum3A_40 : vector<128xf32> to vector<128x1xf32>
    %mul3A = arith.mulf %broadcast_in_dim3A_23, %broadcast_in_dim3A_23 : vector<128x1xf32>
    %mul3A_42 = arith.mulf %broadcast_in_dim3A_32, %broadcast_in_dim3A_32 : vector<128x1xf32>
    %add3A = arith.addf %mul3A, %mul3A_42 : vector<128x1xf32>
    %mul3A_43 = arith.mulf %broadcast_in_dim3A_41, %broadcast_in_dim3A_41 : vector<128x1xf32>
    %add3A_44 = arith.addf %add3A, %mul3A_43 : vector<128x1xf32>
    %mul3A_45 = arith.mulf %get3A_3, %get3A_3 : vector<1x8192xf32>
    %mul3A_46 = arith.mulf %get3A_8, %get3A_8 : vector<1x8192xf32>
    %add3A_47 = arith.addf %mul3A_45, %mul3A_46 : vector<1x8192xf32>
    %mul3A_48 = arith.mulf %get3A_13, %get3A_13 : vector<1x8192xf32>
    %add3A_49 = arith.addf %add3A_47, %mul3A_48 : vector<1x8192xf32>
    %convert_element_type3A = arith.truncf %get3A_3 : vector<1x8192xf32> to vector<1x8192xbf16>
    %convert_element_type3A_50 = arith.extf %convert_element_type3A : vector<1x8192xbf16> to vector<1x8192xf32>
    %convert_element_type3A_51 = arith.truncf %get3A_8 : vector<1x8192xf32> to vector<1x8192xbf16>
    %convert_element_type3A_52 = arith.extf %convert_element_type3A_51 : vector<1x8192xbf16> to vector<1x8192xf32>
    %convert_element_type3A_53 = arith.truncf %get3A_13 : vector<1x8192xf32> to vector<1x8192xbf16>
    %convert_element_type3A_54 = arith.extf %convert_element_type3A_53 : vector<1x8192xbf16> to vector<1x8192xf32>
    %convert_element_type3A_55 = arith.truncf %broadcast_in_dim3A_23 : vector<128x1xf32> to vector<128x1xbf16>
    %convert_element_type3A_56 = arith.extf %convert_element_type3A_55 : vector<128x1xbf16> to vector<128x1xf32>
    %convert_element_type3A_57 = arith.truncf %broadcast_in_dim3A_32 : vector<128x1xf32> to vector<128x1xbf16>
    %convert_element_type3A_58 = arith.extf %convert_element_type3A_57 : vector<128x1xbf16> to vector<128x1xf32>
    %convert_element_type3A_59 = arith.truncf %broadcast_in_dim3A_41 : vector<128x1xf32> to vector<128x1xbf16>
    %convert_element_type3A_60 = arith.extf %convert_element_type3A_59 : vector<128x1xbf16> to vector<128x1xf32>
    %mul3A_61 = vector.broadcast %convert_element_type3A_56 : vector<128x1xf32> to vector<128x8192xf32>
    %mul3A_62 = vector.broadcast %convert_element_type3A_50 : vector<1x8192xf32> to vector<128x8192xf32>
    %mul3A_63 = arith.mulf %mul3A_61, %mul3A_62 : vector<128x8192xf32>
    %mul3A_64 = vector.broadcast %convert_element_type3A_58 : vector<128x1xf32> to vector<128x8192xf32>
    %mul3A_65 = vector.broadcast %convert_element_type3A_52 : vector<1x8192xf32> to vector<128x8192xf32>
    %mul3A_66 = arith.mulf %mul3A_64, %mul3A_65 : vector<128x8192xf32>
    %add3A_67 = arith.addf %mul3A_63, %mul3A_66 : vector<128x8192xf32>
    %mul3A_68 = vector.broadcast %convert_element_type3A_60 : vector<128x1xf32> to vector<128x8192xf32>
    %mul3A_69 = vector.broadcast %convert_element_type3A_54 : vector<1x8192xf32> to vector<128x8192xf32>
    %mul3A_70 = arith.mulf %mul3A_68, %mul3A_69 : vector<128x8192xf32>
    %add3A_71 = arith.addf %add3A_67, %mul3A_70 : vector<128x8192xf32>
    %add3A_72 = vector.broadcast %add3A_44 : vector<128x1xf32> to vector<128x8192xf32>
    %add3A_73 = vector.broadcast %add3A_49 : vector<1x8192xf32> to vector<128x8192xf32>
    %add3A_74 = arith.addf %add3A_72, %add3A_73 : vector<128x8192xf32>
    %mul3A_75 = arith.constant 2.000000e+00 : f32
    %mul3A_76 = vector.broadcast %mul3A_75 : f32 to vector<128x8192xf32>
    %mul3A_77 = arith.mulf %mul3A_76, %add3A_71 : vector<128x8192xf32>
    %sub3A = arith.subf %add3A_74, %mul3A_77 : vector<128x8192xf32>
    %iota3A_78 = tpu.iota {dimensions = array<i32: 1>} : vector<128x8192xi32>
    %convert_element_type3A_79 = arith.sitofp %iota3A_78 : vector<128x8192xi32> to vector<128x8192xf32>
    %gt3A = arith.constant 1.600000e-01 : f32
    %gt3A_80 = vector.broadcast %gt3A : f32 to vector<128x8192xf32>
    %gt3A_81 = arith.cmpf ogt, %sub3A, %gt3A_80 : vector<128x8192xf32>
    %jit3A_82 = arith.constant 1.000000e+09 : f32
    %broadcast_in_dim3A_83 = vector.broadcast %jit3A_82 : f32 to vector<128x8192xf32>
    %select_n3A_84 = arith.select %gt3A_81, %broadcast_in_dim3A_83, %convert_element_type3A_79 : vector<128x8192xi1>, vector<128x8192xf32>
    %iota3A_85 = tpu.iota {dimensions = array<i32: 1>} : vector<128x64xi32>
    %broadcast_in_dim3A_86 = arith.constant 1.000000e+09 : f32
    %broadcast_in_dim3A_87 = vector.broadcast %broadcast_in_dim3A_86 : f32 to vector<128x64xf32>
    %scan3A = arith.constant 1.000000e+09 : f32
    %scan3A_88 = arith.constant 0 : i32
    %scan3A_89 = arith.constant 64 : i32
    %scan3A_90 = arith.addi %scan3A_88, %scan3A_89 : i32
    %scan3A_91 = arith.constant 1 : i32
    %scan3A_92:2 = scf.for %scan3A_114 = %scan3A_88 to %scan3A_90 step %scan3A_91 iter_args(%scan3A_115 = %select_n3A_84, %scan3A_116 = %broadcast_in_dim3A_87) -> (vector<128x8192xf32>, vector<128x64xf32>)  : i32 {
      %reduce_min3A = arith.constant dense<0x7F800000> : vector<128xf32>
      %reduce_min3A_117 = vector.multi_reduction <minimumf>, %scan3A_115, %reduce_min3A [1] : vector<128x8192xf32> to vector<128xf32>
      %broadcast_in_dim3A_118 = vector.shape_cast %reduce_min3A_117 : vector<128xf32> to vector<128x1xf32>
      %eq3A_119 = vector.broadcast %scan3A_114 : i32 to vector<128x64xi32>
      %eq3A_120 = arith.cmpi eq, %iota3A_85, %eq3A_119 : vector<128x64xi32>
      %broadcast_in_dim3A_121 = vector.shape_cast %broadcast_in_dim3A_118 : vector<128x1xf32> to vector<128x1xf32>
      %broadcast_in_dim3A_122 = vector.broadcast %broadcast_in_dim3A_121 : vector<128x1xf32> to vector<128x64xf32>
      %select_n3A_123 = arith.select %eq3A_120, %broadcast_in_dim3A_122, %scan3A_116 : vector<128x64xi1>, vector<128x64xf32>
      %eq3A_124 = vector.broadcast %broadcast_in_dim3A_118 : vector<128x1xf32> to vector<128x8192xf32>
      %eq3A_125 = arith.cmpf oeq, %scan3A_115, %eq3A_124 : vector<128x8192xf32>
      %broadcast_in_dim3A_126 = vector.broadcast %scan3A : f32 to vector<128x8192xf32>
      %select_n3A_127 = arith.select %eq3A_125, %broadcast_in_dim3A_126, %scan3A_115 : vector<128x8192xi1>, vector<128x8192xf32>
      scf.yield %select_n3A_127, %select_n3A_123 : vector<128x8192xf32>, vector<128x64xf32>
    }
    %scan3A_93 = arith.constant 64 : i32
    %slice3A = vector.extract_strided_slice %scan3A_92#1 {offsets = [0, 0], sizes = [128, 1], strides = [1, 1]} : vector<128x64xf32> to vector<128x1xf32>
    %eq3A_94 = arith.constant 1.000000e+09 : f32
    %eq3A_95 = vector.broadcast %eq3A_94 : f32 to vector<128x64xf32>
    %eq3A_96 = arith.cmpf oeq, %scan3A_92#1, %eq3A_95 : vector<128x64xf32>
    %broadcast_in_dim3A_97 = vector.shape_cast %slice3A : vector<128x1xf32> to vector<128x1xf32>
    %broadcast_in_dim3A_98 = vector.broadcast %broadcast_in_dim3A_97 : vector<128x1xf32> to vector<128x64xf32>
    %select_n3A_99 = arith.select %eq3A_96, %broadcast_in_dim3A_98, %scan3A_92#1 : vector<128x64xi1>, vector<128x64xf32>
    %eq3A_100 = arith.constant 1.000000e+09 : f32
    %eq3A_101 = vector.broadcast %eq3A_100 : f32 to vector<128x64xf32>
    %eq3A_102 = arith.cmpf oeq, %select_n3A_99, %eq3A_101 : vector<128x64xf32>
    %jit3A_103 = arith.constant 0.000000e+00 : f32
    %broadcast_in_dim3A_104 = vector.broadcast %jit3A_103 : f32 to vector<128x64xf32>
    %select_n3A_105 = arith.select %eq3A_102, %broadcast_in_dim3A_104, %select_n3A_99 : vector<128x64xi1>, vector<128x64xf32>
    %convert_element_type3A_106 = arith.fptosi %select_n3A_105 : vector<128x64xf32> to vector<128x64xi32>
    %mul3A_107 = arith.constant 8192 : i32
    %mul3A_108 = arith.muli %arg0, %mul3A_107 : i32
    %add3A_109 = vector.broadcast %mul3A_108 : i32 to vector<128x64xi32>
    %add3A_110 = arith.addi %convert_element_type3A_106, %add3A_109 : vector<128x64xi32>
    %reshape3A = vector.shape_cast %add3A_110 : vector<128x64xi32> to vector<1x128x64xi32>
    %swap3A = arith.constant 0 : index
    %swap3A_111 = arith.constant 0 : index
    %swap3A_112 = arith.constant 0 : index
    %swap3A_113 = vector.load %arg6[%swap3A, %swap3A_111, %swap3A_112] : memref<1x128x64xi32, #tpu.memory_space<vmem>>, vector<1x128x64xi32>
    tpu.vector_store %arg6[%swap3A, %swap3A_111, %swap3A_112], %reshape3A {strides = array<i32>} : memref<1x128x64xi32, #tpu.memory_space<vmem>>, vector<1x128x64xi32>,
    return
  }
  func.func @transform_0(%arg0: i32, %arg1: i32) -> (i32, i32, i32) {
    %c0_i32 = arith.constant 0 : i32
    %c0_i32_0 = arith.constant 0 : i32
    %c0_i32_1 = arith.constant 0 : i32
    return %arg0, %c0_i32, %c0_i32_0 : i32, i32, i32
  }
  func.func @transform_1(%arg0: i32, %arg1: i32) -> (i32, i32, i32) {
    %c0_i32 = arith.constant 0 : i32
    %c0_i32_0 = arith.constant 0 : i32
    %c0_i32_1 = arith.constant 0 : i32
    return %arg0, %c0_i32, %c0_i32_0 : i32, i32, i32
  }
  func.func @transform_2(%arg0: i32, %arg1: i32) -> (i32, i32, i32) {
    %c0_i32 = arith.constant 0 : i32
    %c0_i32_0 = arith.constant 0 : i32
    %c0_i32_1 = arith.constant 0 : i32
    return %arg0, %c0_i32, %c0_i32_0 : i32, i32, i32
  }
  func.func @transform_3(%arg0: i32, %arg1: i32) -> (i32, i32, i32, i32) {
    %c0_i32 = arith.constant 0 : i32
    %c0_i32_0 = arith.constant 0 : i32
    %c0_i32_1 = arith.constant 0 : i32
    return %arg0, %arg1, %c0_i32, %c0_i32_0 : i32, i32, i32, i32
  }
  func.func @transform_4(%arg0: i32, %arg1: i32) -> (i32, i32, i32) {
    %c0_i32 = arith.constant 0 : i32
    %c0_i32_0 = arith.constant 0 : i32
    return %arg0, %arg1, %c0_i32 : i32, i32, i32
  }
}

module attributes {stable_mosaic.version = 14 : i64} {
  func.func @_scale_kernel(%arg0: i32, %arg1: memref<1024x80xf32, #tpu.memory_space<vmem>>, %arg2: memref<1024x4xf32, #tpu.memory_space<vmem>>, %arg3: memref<96x64xf32, #tpu.memory_space<vmem>>, %arg4: memref<1x64xf32, #tpu.memory_space<vmem>>, %arg5: memref<1x64xf32, #tpu.memory_space<vmem>>, %arg6: memref<1x64xf32, #tpu.memory_space<vmem>>, %arg7: memref<64x64xf32, #tpu.memory_space<vmem>>, %arg8: memref<1x64xf32, #tpu.memory_space<vmem>>, %arg9: memref<1x64xf32, #tpu.memory_space<vmem>>, %arg10: memref<1x64xf32, #tpu.memory_space<vmem>>, %arg11: memref<64x64xf32, #tpu.memory_space<vmem>>) attributes {dimension_semantics = [#tpu.dimension_semantics<arbitrary>], iteration_bounds = array<i64: 32>, scalar_prefetch = 0 : i64, scratch_operands = 0 : i64, tpu.core_type = #tpu.core_type<tc>, window_params = [{transform_indices = @transform_0, window_bounds = array<i64: 1024, 80>}, {transform_indices = @transform_1, window_bounds = array<i64: 1024, 4>}, {pipeline_mode = #tpu.pipeline_mode<synchronous>, transform_indices = @transform_2, window_bounds = array<i64: 96, 64>}, {pipeline_mode = #tpu.pipeline_mode<synchronous>, transform_indices = @transform_3, window_bounds = array<i64: 1, 64>}, {pipeline_mode = #tpu.pipeline_mode<synchronous>, transform_indices = @transform_4, window_bounds = array<i64: 1, 64>}, {pipeline_mode = #tpu.pipeline_mode<synchronous>, transform_indices = @transform_5, window_bounds = array<i64: 1, 64>}, {pipeline_mode = #tpu.pipeline_mode<synchronous>, transform_indices = @transform_6, window_bounds = array<i64: 64, 64>}, {pipeline_mode = #tpu.pipeline_mode<synchronous>, transform_indices = @transform_7, window_bounds = array<i64: 1, 64>}, {pipeline_mode = #tpu.pipeline_mode<synchronous>, transform_indices = @transform_8, window_bounds = array<i64: 1, 64>}, {pipeline_mode = #tpu.pipeline_mode<synchronous>, transform_indices = @transform_9, window_bounds = array<i64: 1, 64>}, {transform_indices = @transform_10, window_bounds = array<i64: 64, 64>}]} {
    %get3A = arith.constant 0 : index
    %get3A_0 = arith.constant 0 : index
    %get3A_1 = vector.load %arg1[%get3A, %get3A_0] : memref<1024x80xf32, #tpu.memory_space<vmem>>, vector<1024x80xf32>
    %get3A_2 = arith.constant 0 : index
    %get3A_3 = arith.constant 0 : index
    %get3A_4 = vector.load %arg2[%get3A_2, %get3A_3] : memref<1024x4xf32, #tpu.memory_space<vmem>>, vector<1024x4xf32>
    %slice3A = vector.extract_strided_slice %get3A_1 {offsets = [0, 0], sizes = [1024, 64], strides = [1, 1]} : vector<1024x80xf32> to vector<1024x64xf32>
    %slice3A_5 = vector.extract_strided_slice %get3A_1 {offsets = [0, 64], sizes = [1024, 4], strides = [1, 1]} : vector<1024x80xf32> to vector<1024x4xf32>
    %sub3A = arith.subf %slice3A_5, %get3A_4 : vector<1024x4xf32>
    %iota3A = tpu.iota {dimensions = array<i32: 1>} : vector<1x4xi32>
    %convert_element_type3A = arith.sitofp %iota3A : vector<1x4xi32> to vector<1x4xf32>
    %mul3A = arith.constant -3.07011342 : f32
    %mul3A_6 = vector.broadcast %mul3A : f32 to vector<1x4xf32>
    %mul3A_7 = arith.mulf %convert_element_type3A, %mul3A_6 : vector<1x4xf32>
    %exp3A = math.exp %mul3A_7 : vector<1x4xf32>
    %slice3A_8 = vector.extract_strided_slice %sub3A {offsets = [0, 0], sizes = [1024, 1], strides = [1, 1]} : vector<1024x4xf32> to vector<1024x1xf32>
    %mul3A_9 = vector.broadcast %slice3A_8 : vector<1024x1xf32> to vector<1024x4xf32>
    %mul3A_10 = vector.broadcast %exp3A : vector<1x4xf32> to vector<1024x4xf32>
    %mul3A_11 = arith.mulf %mul3A_9, %mul3A_10 : vector<1024x4xf32>
    %sin3A = math.sin %mul3A_11 : vector<1024x4xf32>
    %cos3A = math.cos %mul3A_11 : vector<1024x4xf32>
    %slice3A_12 = vector.extract_strided_slice %sub3A {offsets = [0, 1], sizes = [1024, 1], strides = [1, 1]} : vector<1024x4xf32> to vector<1024x1xf32>
    %mul3A_13 = vector.broadcast %slice3A_12 : vector<1024x1xf32> to vector<1024x4xf32>
    %mul3A_14 = vector.broadcast %exp3A : vector<1x4xf32> to vector<1024x4xf32>
    %mul3A_15 = arith.mulf %mul3A_13, %mul3A_14 : vector<1024x4xf32>
    %sin3A_16 = math.sin %mul3A_15 : vector<1024x4xf32>
    %cos3A_17 = math.cos %mul3A_15 : vector<1024x4xf32>
    %slice3A_18 = vector.extract_strided_slice %sub3A {offsets = [0, 2], sizes = [1024, 1], strides = [1, 1]} : vector<1024x4xf32> to vector<1024x1xf32>
    %mul3A_19 = vector.broadcast %slice3A_18 : vector<1024x1xf32> to vector<1024x4xf32>
    %mul3A_20 = vector.broadcast %exp3A : vector<1x4xf32> to vector<1024x4xf32>
    %mul3A_21 = arith.mulf %mul3A_19, %mul3A_20 : vector<1024x4xf32>
    %sin3A_22 = math.sin %mul3A_21 : vector<1024x4xf32>
    %cos3A_23 = math.cos %mul3A_21 : vector<1024x4xf32>
    %broadcast_in_dim3A = arith.constant 0.000000e+00 : f32
    %broadcast_in_dim3A_24 = vector.broadcast %broadcast_in_dim3A : f32 to vector<1024x5xf32>
    %slice3A_25 = vector.extract_strided_slice %sub3A {offsets = [0, 0], sizes = [1024, 3], strides = [1, 1]} : vector<1024x4xf32> to vector<1024x3xf32>
    %concatenate3A = tpu.concatenate %slice3A, %slice3A_25, %sin3A, %cos3A, %sin3A_16, %cos3A_17, %sin3A_22, %cos3A_23, %broadcast_in_dim3A_24 in 1 : vector<1024x64xf32>, vector<1024x3xf32>, vector<1024x4xf32>, vector<1024x4xf32>, vector<1024x4xf32>, vector<1024x4xf32>, vector<1024x4xf32>, vector<1024x4xf32>, vector<1024x5xf32> -> vector<1024x96xf32>
    %get3A_26 = arith.constant 0 : index
    %get3A_27 = arith.constant 0 : index
    %get3A_28 = vector.load %arg3[%get3A_26, %get3A_27] : memref<96x64xf32, #tpu.memory_space<vmem>>, vector<96x64xf32>
    %dot_general3A = arith.constant dense<0.000000e+00> : vector<1024x64xf32>
    %dot_general3A_29 = tpu.matmul %concatenate3A, %get3A_28, %dot_general3A {dimension_numbers = #tpu.dot_dimension_numbers<[1], [0], [0], [1], [0, 0, 1, 1], [], []>, transpose_lhs_hint = false} : vector<1024x96xf32>, vector<96x64xf32>, vector<1024x64xf32> -> vector<1024x64xf32>
    %get3A_30 = arith.constant 0 : index
    %get3A_31 = arith.constant 0 : index
    %get3A_32 = vector.load %arg4[%get3A_30, %get3A_31] : memref<1x64xf32, #tpu.memory_space<vmem>>, vector<1x64xf32>
    %add3A = vector.broadcast %get3A_32 : vector<1x64xf32> to vector<1024x64xf32>
    %add3A_33 = arith.addf %dot_general3A_29, %add3A : vector<1024x64xf32>
    %get3A_34 = arith.constant 0 : index
    %get3A_35 = arith.constant 0 : index
    %get3A_36 = vector.load %arg5[%get3A_34, %get3A_35] : memref<1x64xf32, #tpu.memory_space<vmem>>, vector<1x64xf32>
    %get3A_37 = arith.constant 0 : index
    %get3A_38 = arith.constant 0 : index
    %get3A_39 = vector.load %arg6[%get3A_37, %get3A_38] : memref<1x64xf32, #tpu.memory_space<vmem>>, vector<1x64xf32>
    %reduce_sum3A = arith.constant dense<0.000000e+00> : vector<1024xf32>
    %reduce_sum3A_40 = vector.multi_reduction <add>, %add3A_33, %reduce_sum3A [1] : vector<1024x64xf32> to vector<1024xf32>
    %broadcast_in_dim3A_41 = vector.shape_cast %reduce_sum3A_40 : vector<1024xf32> to vector<1024x1xf32>
    %div3A = arith.constant 6.400000e+01 : f32
    %div3A_42 = vector.broadcast %div3A : f32 to vector<1024x1xf32>
    %div3A_43 = arith.divf %broadcast_in_dim3A_41, %div3A_42 : vector<1024x1xf32>
    %sub3A_44 = vector.broadcast %div3A_43 : vector<1024x1xf32> to vector<1024x64xf32>
    %sub3A_45 = arith.subf %add3A_33, %sub3A_44 : vector<1024x64xf32>
    %mul3A_46 = arith.mulf %sub3A_45, %sub3A_45 : vector<1024x64xf32>
    %reduce_sum3A_47 = arith.constant dense<0.000000e+00> : vector<1024xf32>
    %reduce_sum3A_48 = vector.multi_reduction <add>, %mul3A_46, %reduce_sum3A_47 [1] : vector<1024x64xf32> to vector<1024xf32>
    %broadcast_in_dim3A_49 = vector.shape_cast %reduce_sum3A_48 : vector<1024xf32> to vector<1024x1xf32>
    %div3A_50 = arith.constant 6.400000e+01 : f32
    %div3A_51 = vector.broadcast %div3A_50 : f32 to vector<1024x1xf32>
    %div3A_52 = arith.divf %broadcast_in_dim3A_49, %div3A_51 : vector<1024x1xf32>
    %add3A_53 = arith.constant 9.99999974E-6 : f32
    %add3A_54 = vector.broadcast %add3A_53 : f32 to vector<1024x1xf32>
    %add3A_55 = arith.addf %div3A_52, %add3A_54 : vector<1024x1xf32>
    %sqrt3A = math.sqrt %add3A_55 : vector<1024x1xf32>
    %div3A_56 = vector.broadcast %sqrt3A : vector<1024x1xf32> to vector<1024x64xf32>
    %div3A_57 = arith.divf %sub3A_45, %div3A_56 : vector<1024x64xf32>
    %mul3A_58 = vector.broadcast %get3A_36 : vector<1x64xf32> to vector<1024x64xf32>
    %mul3A_59 = arith.mulf %div3A_57, %mul3A_58 : vector<1024x64xf32>
    %add3A_60 = vector.broadcast %get3A_39 : vector<1x64xf32> to vector<1024x64xf32>
    %add3A_61 = arith.addf %mul3A_59, %add3A_60 : vector<1024x64xf32>
    %mul3A_62 = arith.constant 5.000000e-01 : f32
    %mul3A_63 = vector.broadcast %mul3A_62 : f32 to vector<1024x64xf32>
    %mul3A_64 = arith.mulf %add3A_61, %mul3A_63 : vector<1024x64xf32>
    %mul3A_65 = arith.constant 0.707106769 : f32
    %mul3A_66 = vector.broadcast %mul3A_65 : f32 to vector<1024x64xf32>
    %mul3A_67 = arith.mulf %add3A_61, %mul3A_66 : vector<1024x64xf32>
    %erf3A = math.erf %mul3A_67 : vector<1024x64xf32>
    %add3A_68 = arith.constant 1.000000e+00 : f32
    %add3A_69 = vector.broadcast %add3A_68 : f32 to vector<1024x64xf32>
    %add3A_70 = arith.addf %add3A_69, %erf3A : vector<1024x64xf32>
    %mul3A_71 = arith.mulf %mul3A_64, %add3A_70 : vector<1024x64xf32>
    %get3A_72 = arith.constant 0 : index
    %get3A_73 = arith.constant 0 : index
    %get3A_74 = vector.load %arg7[%get3A_72, %get3A_73] : memref<64x64xf32, #tpu.memory_space<vmem>>, vector<64x64xf32>
    %dot_general3A_75 = arith.constant dense<0.000000e+00> : vector<1024x64xf32>
    %dot_general3A_76 = tpu.matmul %mul3A_71, %get3A_74, %dot_general3A_75 {dimension_numbers = #tpu.dot_dimension_numbers<[1], [0], [0], [1], [0, 0, 1, 1], [], []>, transpose_lhs_hint = false} : vector<1024x64xf32>, vector<64x64xf32>, vector<1024x64xf32> -> vector<1024x64xf32>
    %get3A_77 = arith.constant 0 : index
    %get3A_78 = arith.constant 0 : index
    %get3A_79 = vector.load %arg8[%get3A_77, %get3A_78] : memref<1x64xf32, #tpu.memory_space<vmem>>, vector<1x64xf32>
    %add3A_80 = vector.broadcast %get3A_79 : vector<1x64xf32> to vector<1024x64xf32>
    %add3A_81 = arith.addf %dot_general3A_76, %add3A_80 : vector<1024x64xf32>
    %get3A_82 = arith.constant 0 : index
    %get3A_83 = arith.constant 0 : index
    %get3A_84 = vector.load %arg9[%get3A_82, %get3A_83] : memref<1x64xf32, #tpu.memory_space<vmem>>, vector<1x64xf32>
    %get3A_85 = arith.constant 0 : index
    %get3A_86 = arith.constant 0 : index
    %get3A_87 = vector.load %arg10[%get3A_85, %get3A_86] : memref<1x64xf32, #tpu.memory_space<vmem>>, vector<1x64xf32>
    %reduce_sum3A_88 = arith.constant dense<0.000000e+00> : vector<1024xf32>
    %reduce_sum3A_89 = vector.multi_reduction <add>, %add3A_81, %reduce_sum3A_88 [1] : vector<1024x64xf32> to vector<1024xf32>
    %broadcast_in_dim3A_90 = vector.shape_cast %reduce_sum3A_89 : vector<1024xf32> to vector<1024x1xf32>
    %div3A_91 = arith.constant 6.400000e+01 : f32
    %div3A_92 = vector.broadcast %div3A_91 : f32 to vector<1024x1xf32>
    %div3A_93 = arith.divf %broadcast_in_dim3A_90, %div3A_92 : vector<1024x1xf32>
    %sub3A_94 = vector.broadcast %div3A_93 : vector<1024x1xf32> to vector<1024x64xf32>
    %sub3A_95 = arith.subf %add3A_81, %sub3A_94 : vector<1024x64xf32>
    %mul3A_96 = arith.mulf %sub3A_95, %sub3A_95 : vector<1024x64xf32>
    %reduce_sum3A_97 = arith.constant dense<0.000000e+00> : vector<1024xf32>
    %reduce_sum3A_98 = vector.multi_reduction <add>, %mul3A_96, %reduce_sum3A_97 [1] : vector<1024x64xf32> to vector<1024xf32>
    %broadcast_in_dim3A_99 = vector.shape_cast %reduce_sum3A_98 : vector<1024xf32> to vector<1024x1xf32>
    %div3A_100 = arith.constant 6.400000e+01 : f32
    %div3A_101 = vector.broadcast %div3A_100 : f32 to vector<1024x1xf32>
    %div3A_102 = arith.divf %broadcast_in_dim3A_99, %div3A_101 : vector<1024x1xf32>
    %add3A_103 = arith.constant 9.99999974E-6 : f32
    %add3A_104 = vector.broadcast %add3A_103 : f32 to vector<1024x1xf32>
    %add3A_105 = arith.addf %div3A_102, %add3A_104 : vector<1024x1xf32>
    %sqrt3A_106 = math.sqrt %add3A_105 : vector<1024x1xf32>
    %div3A_107 = vector.broadcast %sqrt3A_106 : vector<1024x1xf32> to vector<1024x64xf32>
    %div3A_108 = arith.divf %sub3A_95, %div3A_107 : vector<1024x64xf32>
    %mul3A_109 = vector.broadcast %get3A_84 : vector<1x64xf32> to vector<1024x64xf32>
    %mul3A_110 = arith.mulf %div3A_108, %mul3A_109 : vector<1024x64xf32>
    %add3A_111 = vector.broadcast %get3A_87 : vector<1x64xf32> to vector<1024x64xf32>
    %add3A_112 = arith.addf %mul3A_110, %add3A_111 : vector<1024x64xf32>
    %slice3A_113 = vector.extract_strided_slice %add3A_112 {offsets = [0, 0], sizes = [64, 64], strides = [1, 1]} : vector<1024x64xf32> to vector<64x64xf32>
    %slice3A_114 = vector.extract_strided_slice %add3A_112 {offsets = [64, 0], sizes = [64, 64], strides = [1, 1]} : vector<1024x64xf32> to vector<64x64xf32>
    %max3A = arith.maximumf %slice3A_113, %slice3A_114 : vector<64x64xf32>
    %slice3A_115 = vector.extract_strided_slice %add3A_112 {offsets = [128, 0], sizes = [64, 64], strides = [1, 1]} : vector<1024x64xf32> to vector<64x64xf32>
    %max3A_116 = arith.maximumf %max3A, %slice3A_115 : vector<64x64xf32>
    %slice3A_117 = vector.extract_strided_slice %add3A_112 {offsets = [192, 0], sizes = [64, 64], strides = [1, 1]} : vector<1024x64xf32> to vector<64x64xf32>
    %max3A_118 = arith.maximumf %max3A_116, %slice3A_117 : vector<64x64xf32>
    %slice3A_119 = vector.extract_strided_slice %add3A_112 {offsets = [256, 0], sizes = [64, 64], strides = [1, 1]} : vector<1024x64xf32> to vector<64x64xf32>
    %max3A_120 = arith.maximumf %max3A_118, %slice3A_119 : vector<64x64xf32>
    %slice3A_121 = vector.extract_strided_slice %add3A_112 {offsets = [320, 0], sizes = [64, 64], strides = [1, 1]} : vector<1024x64xf32> to vector<64x64xf32>
    %max3A_122 = arith.maximumf %max3A_120, %slice3A_121 : vector<64x64xf32>
    %slice3A_123 = vector.extract_strided_slice %add3A_112 {offsets = [384, 0], sizes = [64, 64], strides = [1, 1]} : vector<1024x64xf32> to vector<64x64xf32>
    %max3A_124 = arith.maximumf %max3A_122, %slice3A_123 : vector<64x64xf32>
    %slice3A_125 = vector.extract_strided_slice %add3A_112 {offsets = [448, 0], sizes = [64, 64], strides = [1, 1]} : vector<1024x64xf32> to vector<64x64xf32>
    %max3A_126 = arith.maximumf %max3A_124, %slice3A_125 : vector<64x64xf32>
    %slice3A_127 = vector.extract_strided_slice %add3A_112 {offsets = [512, 0], sizes = [64, 64], strides = [1, 1]} : vector<1024x64xf32> to vector<64x64xf32>
    %max3A_128 = arith.maximumf %max3A_126, %slice3A_127 : vector<64x64xf32>
    %slice3A_129 = vector.extract_strided_slice %add3A_112 {offsets = [576, 0], sizes = [64, 64], strides = [1, 1]} : vector<1024x64xf32> to vector<64x64xf32>
    %max3A_130 = arith.maximumf %max3A_128, %slice3A_129 : vector<64x64xf32>
    %slice3A_131 = vector.extract_strided_slice %add3A_112 {offsets = [640, 0], sizes = [64, 64], strides = [1, 1]} : vector<1024x64xf32> to vector<64x64xf32>
    %max3A_132 = arith.maximumf %max3A_130, %slice3A_131 : vector<64x64xf32>
    %slice3A_133 = vector.extract_strided_slice %add3A_112 {offsets = [704, 0], sizes = [64, 64], strides = [1, 1]} : vector<1024x64xf32> to vector<64x64xf32>
    %max3A_134 = arith.maximumf %max3A_132, %slice3A_133 : vector<64x64xf32>
    %slice3A_135 = vector.extract_strided_slice %add3A_112 {offsets = [768, 0], sizes = [64, 64], strides = [1, 1]} : vector<1024x64xf32> to vector<64x64xf32>
    %max3A_136 = arith.maximumf %max3A_134, %slice3A_135 : vector<64x64xf32>
    %slice3A_137 = vector.extract_strided_slice %add3A_112 {offsets = [832, 0], sizes = [64, 64], strides = [1, 1]} : vector<1024x64xf32> to vector<64x64xf32>
    %max3A_138 = arith.maximumf %max3A_136, %slice3A_137 : vector<64x64xf32>
    %slice3A_139 = vector.extract_strided_slice %add3A_112 {offsets = [896, 0], sizes = [64, 64], strides = [1, 1]} : vector<1024x64xf32> to vector<64x64xf32>
    %max3A_140 = arith.maximumf %max3A_138, %slice3A_139 : vector<64x64xf32>
    %slice3A_141 = vector.extract_strided_slice %add3A_112 {offsets = [960, 0], sizes = [64, 64], strides = [1, 1]} : vector<1024x64xf32> to vector<64x64xf32>
    %max3A_142 = arith.maximumf %max3A_140, %slice3A_141 : vector<64x64xf32>
    %swap3A = arith.constant 0 : index
    %swap3A_143 = arith.constant 0 : index
    %swap3A_144 = vector.load %arg11[%swap3A, %swap3A_143] : memref<64x64xf32, #tpu.memory_space<vmem>>, vector<64x64xf32>
    tpu.vector_store %arg11[%swap3A, %swap3A_143], %max3A_142 {strides = array<i32>} : memref<64x64xf32, #tpu.memory_space<vmem>>, vector<64x64xf32>,
    return
  }
  func.func @transform_0(%arg0: i32) -> (i32, i32) {
    %c0_i32 = arith.constant 0 : i32
    %c0_i32_0 = arith.constant 0 : i32
    return %arg0, %c0_i32 : i32, i32
  }
  func.func @transform_1(%arg0: i32) -> (i32, i32) {
    %c0_i32 = arith.constant 0 : i32
    %c0_i32_0 = arith.constant 0 : i32
    return %arg0, %c0_i32 : i32, i32
  }
  func.func @transform_2(%arg0: i32) -> (i32, i32) {
    %c0_i32 = arith.constant 0 : i32
    %c0_i32_0 = arith.constant 0 : i32
    %c0_i32_1 = arith.constant 0 : i32
    return %c0_i32, %c0_i32_0 : i32, i32
  }
  func.func @transform_3(%arg0: i32) -> (i32, i32) {
    %c0_i32 = arith.constant 0 : i32
    %c0_i32_0 = arith.constant 0 : i32
    %c0_i32_1 = arith.constant 0 : i32
    return %c0_i32, %c0_i32_0 : i32, i32
  }
  func.func @transform_4(%arg0: i32) -> (i32, i32) {
    %c0_i32 = arith.constant 0 : i32
    %c0_i32_0 = arith.constant 0 : i32
    %c0_i32_1 = arith.constant 0 : i32
    return %c0_i32, %c0_i32_0 : i32, i32
  }
  func.func @transform_5(%arg0: i32) -> (i32, i32) {
    %c0_i32 = arith.constant 0 : i32
    %c0_i32_0 = arith.constant 0 : i32
    %c0_i32_1 = arith.constant 0 : i32
    return %c0_i32, %c0_i32_0 : i32, i32
  }
  func.func @transform_6(%arg0: i32) -> (i32, i32) {
    %c0_i32 = arith.constant 0 : i32
    %c0_i32_0 = arith.constant 0 : i32
    %c0_i32_1 = arith.constant 0 : i32
    return %c0_i32, %c0_i32_0 : i32, i32
  }
  func.func @transform_7(%arg0: i32) -> (i32, i32) {
    %c0_i32 = arith.constant 0 : i32
    %c0_i32_0 = arith.constant 0 : i32
    %c0_i32_1 = arith.constant 0 : i32
    return %c0_i32, %c0_i32_0 : i32, i32
  }
  func.func @transform_8(%arg0: i32) -> (i32, i32) {
    %c0_i32 = arith.constant 0 : i32
    %c0_i32_0 = arith.constant 0 : i32
    %c0_i32_1 = arith.constant 0 : i32
    return %c0_i32, %c0_i32_0 : i32, i32
  }
  func.func @transform_9(%arg0: i32) -> (i32, i32) {
    %c0_i32 = arith.constant 0 : i32
    %c0_i32_0 = arith.constant 0 : i32
    %c0_i32_1 = arith.constant 0 : i32
    return %c0_i32, %c0_i32_0 : i32, i32
  }
  func.func @transform_10(%arg0: i32) -> (i32, i32) {
    %c0_i32 = arith.constant 0 : i32
    %c0_i32_0 = arith.constant 0 : i32
    return %arg0, %c0_i32 : i32, i32
  }
}

module attributes {stable_mosaic.version = 14 : i64} {
  func.func @_scale_kernel(%arg0: i32, %arg1: memref<2048x80xf32, #tpu.memory_space<vmem>>, %arg2: memref<2048x4xf32, #tpu.memory_space<vmem>>, %arg3: memref<96x64xf32, #tpu.memory_space<vmem>>, %arg4: memref<1x64xf32, #tpu.memory_space<vmem>>, %arg5: memref<1x64xf32, #tpu.memory_space<vmem>>, %arg6: memref<1x64xf32, #tpu.memory_space<vmem>>, %arg7: memref<64x64xf32, #tpu.memory_space<vmem>>, %arg8: memref<1x64xf32, #tpu.memory_space<vmem>>, %arg9: memref<1x64xf32, #tpu.memory_space<vmem>>, %arg10: memref<1x64xf32, #tpu.memory_space<vmem>>, %arg11: memref<64x64xf32, #tpu.memory_space<vmem>>) attributes {dimension_semantics = [#tpu.dimension_semantics<arbitrary>], iteration_bounds = array<i64: 32>, scalar_prefetch = 0 : i64, scratch_operands = 0 : i64, tpu.core_type = #tpu.core_type<tc>, window_params = [{transform_indices = @transform_0, window_bounds = array<i64: 2048, 80>}, {transform_indices = @transform_1, window_bounds = array<i64: 2048, 4>}, {pipeline_mode = #tpu.pipeline_mode<synchronous>, transform_indices = @transform_2, window_bounds = array<i64: 96, 64>}, {pipeline_mode = #tpu.pipeline_mode<synchronous>, transform_indices = @transform_3, window_bounds = array<i64: 1, 64>}, {pipeline_mode = #tpu.pipeline_mode<synchronous>, transform_indices = @transform_4, window_bounds = array<i64: 1, 64>}, {pipeline_mode = #tpu.pipeline_mode<synchronous>, transform_indices = @transform_5, window_bounds = array<i64: 1, 64>}, {pipeline_mode = #tpu.pipeline_mode<synchronous>, transform_indices = @transform_6, window_bounds = array<i64: 64, 64>}, {pipeline_mode = #tpu.pipeline_mode<synchronous>, transform_indices = @transform_7, window_bounds = array<i64: 1, 64>}, {pipeline_mode = #tpu.pipeline_mode<synchronous>, transform_indices = @transform_8, window_bounds = array<i64: 1, 64>}, {pipeline_mode = #tpu.pipeline_mode<synchronous>, transform_indices = @transform_9, window_bounds = array<i64: 1, 64>}, {transform_indices = @transform_10, window_bounds = array<i64: 64, 64>}]} {
    %get3A = arith.constant 0 : index
    %get3A_0 = arith.constant 0 : index
    %get3A_1 = vector.load %arg1[%get3A, %get3A_0] : memref<2048x80xf32, #tpu.memory_space<vmem>>, vector<2048x80xf32>
    %get3A_2 = arith.constant 0 : index
    %get3A_3 = arith.constant 0 : index
    %get3A_4 = vector.load %arg2[%get3A_2, %get3A_3] : memref<2048x4xf32, #tpu.memory_space<vmem>>, vector<2048x4xf32>
    %slice3A = vector.extract_strided_slice %get3A_1 {offsets = [0, 0], sizes = [2048, 64], strides = [1, 1]} : vector<2048x80xf32> to vector<2048x64xf32>
    %slice3A_5 = vector.extract_strided_slice %get3A_1 {offsets = [0, 64], sizes = [2048, 4], strides = [1, 1]} : vector<2048x80xf32> to vector<2048x4xf32>
    %sub3A = arith.subf %slice3A_5, %get3A_4 : vector<2048x4xf32>
    %iota3A = tpu.iota {dimensions = array<i32: 1>} : vector<1x4xi32>
    %convert_element_type3A = arith.sitofp %iota3A : vector<1x4xi32> to vector<1x4xf32>
    %mul3A = arith.constant -3.07011342 : f32
    %mul3A_6 = vector.broadcast %mul3A : f32 to vector<1x4xf32>
    %mul3A_7 = arith.mulf %convert_element_type3A, %mul3A_6 : vector<1x4xf32>
    %exp3A = math.exp %mul3A_7 : vector<1x4xf32>
    %slice3A_8 = vector.extract_strided_slice %sub3A {offsets = [0, 0], sizes = [2048, 1], strides = [1, 1]} : vector<2048x4xf32> to vector<2048x1xf32>
    %mul3A_9 = vector.broadcast %slice3A_8 : vector<2048x1xf32> to vector<2048x4xf32>
    %mul3A_10 = vector.broadcast %exp3A : vector<1x4xf32> to vector<2048x4xf32>
    %mul3A_11 = arith.mulf %mul3A_9, %mul3A_10 : vector<2048x4xf32>
    %sin3A = math.sin %mul3A_11 : vector<2048x4xf32>
    %cos3A = math.cos %mul3A_11 : vector<2048x4xf32>
    %slice3A_12 = vector.extract_strided_slice %sub3A {offsets = [0, 1], sizes = [2048, 1], strides = [1, 1]} : vector<2048x4xf32> to vector<2048x1xf32>
    %mul3A_13 = vector.broadcast %slice3A_12 : vector<2048x1xf32> to vector<2048x4xf32>
    %mul3A_14 = vector.broadcast %exp3A : vector<1x4xf32> to vector<2048x4xf32>
    %mul3A_15 = arith.mulf %mul3A_13, %mul3A_14 : vector<2048x4xf32>
    %sin3A_16 = math.sin %mul3A_15 : vector<2048x4xf32>
    %cos3A_17 = math.cos %mul3A_15 : vector<2048x4xf32>
    %slice3A_18 = vector.extract_strided_slice %sub3A {offsets = [0, 2], sizes = [2048, 1], strides = [1, 1]} : vector<2048x4xf32> to vector<2048x1xf32>
    %mul3A_19 = vector.broadcast %slice3A_18 : vector<2048x1xf32> to vector<2048x4xf32>
    %mul3A_20 = vector.broadcast %exp3A : vector<1x4xf32> to vector<2048x4xf32>
    %mul3A_21 = arith.mulf %mul3A_19, %mul3A_20 : vector<2048x4xf32>
    %sin3A_22 = math.sin %mul3A_21 : vector<2048x4xf32>
    %cos3A_23 = math.cos %mul3A_21 : vector<2048x4xf32>
    %broadcast_in_dim3A = arith.constant 0.000000e+00 : f32
    %broadcast_in_dim3A_24 = vector.broadcast %broadcast_in_dim3A : f32 to vector<2048x5xf32>
    %slice3A_25 = vector.extract_strided_slice %sub3A {offsets = [0, 0], sizes = [2048, 3], strides = [1, 1]} : vector<2048x4xf32> to vector<2048x3xf32>
    %concatenate3A = tpu.concatenate %slice3A, %slice3A_25, %sin3A, %cos3A, %sin3A_16, %cos3A_17, %sin3A_22, %cos3A_23, %broadcast_in_dim3A_24 in 1 : vector<2048x64xf32>, vector<2048x3xf32>, vector<2048x4xf32>, vector<2048x4xf32>, vector<2048x4xf32>, vector<2048x4xf32>, vector<2048x4xf32>, vector<2048x4xf32>, vector<2048x5xf32> -> vector<2048x96xf32>
    %get3A_26 = arith.constant 0 : index
    %get3A_27 = arith.constant 0 : index
    %get3A_28 = vector.load %arg3[%get3A_26, %get3A_27] : memref<96x64xf32, #tpu.memory_space<vmem>>, vector<96x64xf32>
    %dot_general3A = arith.constant dense<0.000000e+00> : vector<2048x64xf32>
    %dot_general3A_29 = tpu.matmul %concatenate3A, %get3A_28, %dot_general3A {dimension_numbers = #tpu.dot_dimension_numbers<[1], [0], [0], [1], [0, 0, 1, 1], [], []>, transpose_lhs_hint = false} : vector<2048x96xf32>, vector<96x64xf32>, vector<2048x64xf32> -> vector<2048x64xf32>
    %get3A_30 = arith.constant 0 : index
    %get3A_31 = arith.constant 0 : index
    %get3A_32 = vector.load %arg4[%get3A_30, %get3A_31] : memref<1x64xf32, #tpu.memory_space<vmem>>, vector<1x64xf32>
    %add3A = vector.broadcast %get3A_32 : vector<1x64xf32> to vector<2048x64xf32>
    %add3A_33 = arith.addf %dot_general3A_29, %add3A : vector<2048x64xf32>
    %get3A_34 = arith.constant 0 : index
    %get3A_35 = arith.constant 0 : index
    %get3A_36 = vector.load %arg5[%get3A_34, %get3A_35] : memref<1x64xf32, #tpu.memory_space<vmem>>, vector<1x64xf32>
    %get3A_37 = arith.constant 0 : index
    %get3A_38 = arith.constant 0 : index
    %get3A_39 = vector.load %arg6[%get3A_37, %get3A_38] : memref<1x64xf32, #tpu.memory_space<vmem>>, vector<1x64xf32>
    %reduce_sum3A = arith.constant dense<0.000000e+00> : vector<2048xf32>
    %reduce_sum3A_40 = vector.multi_reduction <add>, %add3A_33, %reduce_sum3A [1] : vector<2048x64xf32> to vector<2048xf32>
    %broadcast_in_dim3A_41 = vector.shape_cast %reduce_sum3A_40 : vector<2048xf32> to vector<2048x1xf32>
    %div3A = arith.constant 6.400000e+01 : f32
    %div3A_42 = vector.broadcast %div3A : f32 to vector<2048x1xf32>
    %div3A_43 = arith.divf %broadcast_in_dim3A_41, %div3A_42 : vector<2048x1xf32>
    %sub3A_44 = vector.broadcast %div3A_43 : vector<2048x1xf32> to vector<2048x64xf32>
    %sub3A_45 = arith.subf %add3A_33, %sub3A_44 : vector<2048x64xf32>
    %mul3A_46 = arith.mulf %sub3A_45, %sub3A_45 : vector<2048x64xf32>
    %reduce_sum3A_47 = arith.constant dense<0.000000e+00> : vector<2048xf32>
    %reduce_sum3A_48 = vector.multi_reduction <add>, %mul3A_46, %reduce_sum3A_47 [1] : vector<2048x64xf32> to vector<2048xf32>
    %broadcast_in_dim3A_49 = vector.shape_cast %reduce_sum3A_48 : vector<2048xf32> to vector<2048x1xf32>
    %div3A_50 = arith.constant 6.400000e+01 : f32
    %div3A_51 = vector.broadcast %div3A_50 : f32 to vector<2048x1xf32>
    %div3A_52 = arith.divf %broadcast_in_dim3A_49, %div3A_51 : vector<2048x1xf32>
    %add3A_53 = arith.constant 9.99999974E-6 : f32
    %add3A_54 = vector.broadcast %add3A_53 : f32 to vector<2048x1xf32>
    %add3A_55 = arith.addf %div3A_52, %add3A_54 : vector<2048x1xf32>
    %sqrt3A = math.sqrt %add3A_55 : vector<2048x1xf32>
    %div3A_56 = vector.broadcast %sqrt3A : vector<2048x1xf32> to vector<2048x64xf32>
    %div3A_57 = arith.divf %sub3A_45, %div3A_56 : vector<2048x64xf32>
    %mul3A_58 = vector.broadcast %get3A_36 : vector<1x64xf32> to vector<2048x64xf32>
    %mul3A_59 = arith.mulf %div3A_57, %mul3A_58 : vector<2048x64xf32>
    %add3A_60 = vector.broadcast %get3A_39 : vector<1x64xf32> to vector<2048x64xf32>
    %add3A_61 = arith.addf %mul3A_59, %add3A_60 : vector<2048x64xf32>
    %mul3A_62 = arith.constant 5.000000e-01 : f32
    %mul3A_63 = vector.broadcast %mul3A_62 : f32 to vector<2048x64xf32>
    %mul3A_64 = arith.mulf %add3A_61, %mul3A_63 : vector<2048x64xf32>
    %mul3A_65 = arith.constant 0.707106769 : f32
    %mul3A_66 = vector.broadcast %mul3A_65 : f32 to vector<2048x64xf32>
    %mul3A_67 = arith.mulf %add3A_61, %mul3A_66 : vector<2048x64xf32>
    %erf3A = math.erf %mul3A_67 : vector<2048x64xf32>
    %add3A_68 = arith.constant 1.000000e+00 : f32
    %add3A_69 = vector.broadcast %add3A_68 : f32 to vector<2048x64xf32>
    %add3A_70 = arith.addf %add3A_69, %erf3A : vector<2048x64xf32>
    %mul3A_71 = arith.mulf %mul3A_64, %add3A_70 : vector<2048x64xf32>
    %get3A_72 = arith.constant 0 : index
    %get3A_73 = arith.constant 0 : index
    %get3A_74 = vector.load %arg7[%get3A_72, %get3A_73] : memref<64x64xf32, #tpu.memory_space<vmem>>, vector<64x64xf32>
    %dot_general3A_75 = arith.constant dense<0.000000e+00> : vector<2048x64xf32>
    %dot_general3A_76 = tpu.matmul %mul3A_71, %get3A_74, %dot_general3A_75 {dimension_numbers = #tpu.dot_dimension_numbers<[1], [0], [0], [1], [0, 0, 1, 1], [], []>, transpose_lhs_hint = false} : vector<2048x64xf32>, vector<64x64xf32>, vector<2048x64xf32> -> vector<2048x64xf32>
    %get3A_77 = arith.constant 0 : index
    %get3A_78 = arith.constant 0 : index
    %get3A_79 = vector.load %arg8[%get3A_77, %get3A_78] : memref<1x64xf32, #tpu.memory_space<vmem>>, vector<1x64xf32>
    %add3A_80 = vector.broadcast %get3A_79 : vector<1x64xf32> to vector<2048x64xf32>
    %add3A_81 = arith.addf %dot_general3A_76, %add3A_80 : vector<2048x64xf32>
    %get3A_82 = arith.constant 0 : index
    %get3A_83 = arith.constant 0 : index
    %get3A_84 = vector.load %arg9[%get3A_82, %get3A_83] : memref<1x64xf32, #tpu.memory_space<vmem>>, vector<1x64xf32>
    %get3A_85 = arith.constant 0 : index
    %get3A_86 = arith.constant 0 : index
    %get3A_87 = vector.load %arg10[%get3A_85, %get3A_86] : memref<1x64xf32, #tpu.memory_space<vmem>>, vector<1x64xf32>
    %reduce_sum3A_88 = arith.constant dense<0.000000e+00> : vector<2048xf32>
    %reduce_sum3A_89 = vector.multi_reduction <add>, %add3A_81, %reduce_sum3A_88 [1] : vector<2048x64xf32> to vector<2048xf32>
    %broadcast_in_dim3A_90 = vector.shape_cast %reduce_sum3A_89 : vector<2048xf32> to vector<2048x1xf32>
    %div3A_91 = arith.constant 6.400000e+01 : f32
    %div3A_92 = vector.broadcast %div3A_91 : f32 to vector<2048x1xf32>
    %div3A_93 = arith.divf %broadcast_in_dim3A_90, %div3A_92 : vector<2048x1xf32>
    %sub3A_94 = vector.broadcast %div3A_93 : vector<2048x1xf32> to vector<2048x64xf32>
    %sub3A_95 = arith.subf %add3A_81, %sub3A_94 : vector<2048x64xf32>
    %mul3A_96 = arith.mulf %sub3A_95, %sub3A_95 : vector<2048x64xf32>
    %reduce_sum3A_97 = arith.constant dense<0.000000e+00> : vector<2048xf32>
    %reduce_sum3A_98 = vector.multi_reduction <add>, %mul3A_96, %reduce_sum3A_97 [1] : vector<2048x64xf32> to vector<2048xf32>
    %broadcast_in_dim3A_99 = vector.shape_cast %reduce_sum3A_98 : vector<2048xf32> to vector<2048x1xf32>
    %div3A_100 = arith.constant 6.400000e+01 : f32
    %div3A_101 = vector.broadcast %div3A_100 : f32 to vector<2048x1xf32>
    %div3A_102 = arith.divf %broadcast_in_dim3A_99, %div3A_101 : vector<2048x1xf32>
    %add3A_103 = arith.constant 9.99999974E-6 : f32
    %add3A_104 = vector.broadcast %add3A_103 : f32 to vector<2048x1xf32>
    %add3A_105 = arith.addf %div3A_102, %add3A_104 : vector<2048x1xf32>
    %sqrt3A_106 = math.sqrt %add3A_105 : vector<2048x1xf32>
    %div3A_107 = vector.broadcast %sqrt3A_106 : vector<2048x1xf32> to vector<2048x64xf32>
    %div3A_108 = arith.divf %sub3A_95, %div3A_107 : vector<2048x64xf32>
    %mul3A_109 = vector.broadcast %get3A_84 : vector<1x64xf32> to vector<2048x64xf32>
    %mul3A_110 = arith.mulf %div3A_108, %mul3A_109 : vector<2048x64xf32>
    %add3A_111 = vector.broadcast %get3A_87 : vector<1x64xf32> to vector<2048x64xf32>
    %add3A_112 = arith.addf %mul3A_110, %add3A_111 : vector<2048x64xf32>
    %slice3A_113 = vector.extract_strided_slice %add3A_112 {offsets = [0, 0], sizes = [64, 64], strides = [1, 1]} : vector<2048x64xf32> to vector<64x64xf32>
    %slice3A_114 = vector.extract_strided_slice %add3A_112 {offsets = [64, 0], sizes = [64, 64], strides = [1, 1]} : vector<2048x64xf32> to vector<64x64xf32>
    %max3A = arith.maximumf %slice3A_113, %slice3A_114 : vector<64x64xf32>
    %slice3A_115 = vector.extract_strided_slice %add3A_112 {offsets = [128, 0], sizes = [64, 64], strides = [1, 1]} : vector<2048x64xf32> to vector<64x64xf32>
    %max3A_116 = arith.maximumf %max3A, %slice3A_115 : vector<64x64xf32>
    %slice3A_117 = vector.extract_strided_slice %add3A_112 {offsets = [192, 0], sizes = [64, 64], strides = [1, 1]} : vector<2048x64xf32> to vector<64x64xf32>
    %max3A_118 = arith.maximumf %max3A_116, %slice3A_117 : vector<64x64xf32>
    %slice3A_119 = vector.extract_strided_slice %add3A_112 {offsets = [256, 0], sizes = [64, 64], strides = [1, 1]} : vector<2048x64xf32> to vector<64x64xf32>
    %max3A_120 = arith.maximumf %max3A_118, %slice3A_119 : vector<64x64xf32>
    %slice3A_121 = vector.extract_strided_slice %add3A_112 {offsets = [320, 0], sizes = [64, 64], strides = [1, 1]} : vector<2048x64xf32> to vector<64x64xf32>
    %max3A_122 = arith.maximumf %max3A_120, %slice3A_121 : vector<64x64xf32>
    %slice3A_123 = vector.extract_strided_slice %add3A_112 {offsets = [384, 0], sizes = [64, 64], strides = [1, 1]} : vector<2048x64xf32> to vector<64x64xf32>
    %max3A_124 = arith.maximumf %max3A_122, %slice3A_123 : vector<64x64xf32>
    %slice3A_125 = vector.extract_strided_slice %add3A_112 {offsets = [448, 0], sizes = [64, 64], strides = [1, 1]} : vector<2048x64xf32> to vector<64x64xf32>
    %max3A_126 = arith.maximumf %max3A_124, %slice3A_125 : vector<64x64xf32>
    %slice3A_127 = vector.extract_strided_slice %add3A_112 {offsets = [512, 0], sizes = [64, 64], strides = [1, 1]} : vector<2048x64xf32> to vector<64x64xf32>
    %max3A_128 = arith.maximumf %max3A_126, %slice3A_127 : vector<64x64xf32>
    %slice3A_129 = vector.extract_strided_slice %add3A_112 {offsets = [576, 0], sizes = [64, 64], strides = [1, 1]} : vector<2048x64xf32> to vector<64x64xf32>
    %max3A_130 = arith.maximumf %max3A_128, %slice3A_129 : vector<64x64xf32>
    %slice3A_131 = vector.extract_strided_slice %add3A_112 {offsets = [640, 0], sizes = [64, 64], strides = [1, 1]} : vector<2048x64xf32> to vector<64x64xf32>
    %max3A_132 = arith.maximumf %max3A_130, %slice3A_131 : vector<64x64xf32>
    %slice3A_133 = vector.extract_strided_slice %add3A_112 {offsets = [704, 0], sizes = [64, 64], strides = [1, 1]} : vector<2048x64xf32> to vector<64x64xf32>
    %max3A_134 = arith.maximumf %max3A_132, %slice3A_133 : vector<64x64xf32>
    %slice3A_135 = vector.extract_strided_slice %add3A_112 {offsets = [768, 0], sizes = [64, 64], strides = [1, 1]} : vector<2048x64xf32> to vector<64x64xf32>
    %max3A_136 = arith.maximumf %max3A_134, %slice3A_135 : vector<64x64xf32>
    %slice3A_137 = vector.extract_strided_slice %add3A_112 {offsets = [832, 0], sizes = [64, 64], strides = [1, 1]} : vector<2048x64xf32> to vector<64x64xf32>
    %max3A_138 = arith.maximumf %max3A_136, %slice3A_137 : vector<64x64xf32>
    %slice3A_139 = vector.extract_strided_slice %add3A_112 {offsets = [896, 0], sizes = [64, 64], strides = [1, 1]} : vector<2048x64xf32> to vector<64x64xf32>
    %max3A_140 = arith.maximumf %max3A_138, %slice3A_139 : vector<64x64xf32>
    %slice3A_141 = vector.extract_strided_slice %add3A_112 {offsets = [960, 0], sizes = [64, 64], strides = [1, 1]} : vector<2048x64xf32> to vector<64x64xf32>
    %max3A_142 = arith.maximumf %max3A_140, %slice3A_141 : vector<64x64xf32>
    %slice3A_143 = vector.extract_strided_slice %add3A_112 {offsets = [1024, 0], sizes = [64, 64], strides = [1, 1]} : vector<2048x64xf32> to vector<64x64xf32>
    %max3A_144 = arith.maximumf %max3A_142, %slice3A_143 : vector<64x64xf32>
    %slice3A_145 = vector.extract_strided_slice %add3A_112 {offsets = [1088, 0], sizes = [64, 64], strides = [1, 1]} : vector<2048x64xf32> to vector<64x64xf32>
    %max3A_146 = arith.maximumf %max3A_144, %slice3A_145 : vector<64x64xf32>
    %slice3A_147 = vector.extract_strided_slice %add3A_112 {offsets = [1152, 0], sizes = [64, 64], strides = [1, 1]} : vector<2048x64xf32> to vector<64x64xf32>
    %max3A_148 = arith.maximumf %max3A_146, %slice3A_147 : vector<64x64xf32>
    %slice3A_149 = vector.extract_strided_slice %add3A_112 {offsets = [1216, 0], sizes = [64, 64], strides = [1, 1]} : vector<2048x64xf32> to vector<64x64xf32>
    %max3A_150 = arith.maximumf %max3A_148, %slice3A_149 : vector<64x64xf32>
    %slice3A_151 = vector.extract_strided_slice %add3A_112 {offsets = [1280, 0], sizes = [64, 64], strides = [1, 1]} : vector<2048x64xf32> to vector<64x64xf32>
    %max3A_152 = arith.maximumf %max3A_150, %slice3A_151 : vector<64x64xf32>
    %slice3A_153 = vector.extract_strided_slice %add3A_112 {offsets = [1344, 0], sizes = [64, 64], strides = [1, 1]} : vector<2048x64xf32> to vector<64x64xf32>
    %max3A_154 = arith.maximumf %max3A_152, %slice3A_153 : vector<64x64xf32>
    %slice3A_155 = vector.extract_strided_slice %add3A_112 {offsets = [1408, 0], sizes = [64, 64], strides = [1, 1]} : vector<2048x64xf32> to vector<64x64xf32>
    %max3A_156 = arith.maximumf %max3A_154, %slice3A_155 : vector<64x64xf32>
    %slice3A_157 = vector.extract_strided_slice %add3A_112 {offsets = [1472, 0], sizes = [64, 64], strides = [1, 1]} : vector<2048x64xf32> to vector<64x64xf32>
    %max3A_158 = arith.maximumf %max3A_156, %slice3A_157 : vector<64x64xf32>
    %slice3A_159 = vector.extract_strided_slice %add3A_112 {offsets = [1536, 0], sizes = [64, 64], strides = [1, 1]} : vector<2048x64xf32> to vector<64x64xf32>
    %max3A_160 = arith.maximumf %max3A_158, %slice3A_159 : vector<64x64xf32>
    %slice3A_161 = vector.extract_strided_slice %add3A_112 {offsets = [1600, 0], sizes = [64, 64], strides = [1, 1]} : vector<2048x64xf32> to vector<64x64xf32>
    %max3A_162 = arith.maximumf %max3A_160, %slice3A_161 : vector<64x64xf32>
    %slice3A_163 = vector.extract_strided_slice %add3A_112 {offsets = [1664, 0], sizes = [64, 64], strides = [1, 1]} : vector<2048x64xf32> to vector<64x64xf32>
    %max3A_164 = arith.maximumf %max3A_162, %slice3A_163 : vector<64x64xf32>
    %slice3A_165 = vector.extract_strided_slice %add3A_112 {offsets = [1728, 0], sizes = [64, 64], strides = [1, 1]} : vector<2048x64xf32> to vector<64x64xf32>
    %max3A_166 = arith.maximumf %max3A_164, %slice3A_165 : vector<64x64xf32>
    %slice3A_167 = vector.extract_strided_slice %add3A_112 {offsets = [1792, 0], sizes = [64, 64], strides = [1, 1]} : vector<2048x64xf32> to vector<64x64xf32>
    %max3A_168 = arith.maximumf %max3A_166, %slice3A_167 : vector<64x64xf32>
    %slice3A_169 = vector.extract_strided_slice %add3A_112 {offsets = [1856, 0], sizes = [64, 64], strides = [1, 1]} : vector<2048x64xf32> to vector<64x64xf32>
    %max3A_170 = arith.maximumf %max3A_168, %slice3A_169 : vector<64x64xf32>
    %slice3A_171 = vector.extract_strided_slice %add3A_112 {offsets = [1920, 0], sizes = [64, 64], strides = [1, 1]} : vector<2048x64xf32> to vector<64x64xf32>
    %max3A_172 = arith.maximumf %max3A_170, %slice3A_171 : vector<64x64xf32>
    %slice3A_173 = vector.extract_strided_slice %add3A_112 {offsets = [1984, 0], sizes = [64, 64], strides = [1, 1]} : vector<2048x64xf32> to vector<64x64xf32>
    %max3A_174 = arith.maximumf %max3A_172, %slice3A_173 : vector<64x64xf32>
    %swap3A = arith.constant 0 : index
    %swap3A_175 = arith.constant 0 : index
    %swap3A_176 = vector.load %arg11[%swap3A, %swap3A_175] : memref<64x64xf32, #tpu.memory_space<vmem>>, vector<64x64xf32>
    tpu.vector_store %arg11[%swap3A, %swap3A_175], %max3A_174 {strides = array<i32>} : memref<64x64xf32, #tpu.memory_space<vmem>>, vector<64x64xf32>,
    return
  }
  func.func @transform_0(%arg0: i32) -> (i32, i32) {
    %c0_i32 = arith.constant 0 : i32
    %c0_i32_0 = arith.constant 0 : i32
    return %arg0, %c0_i32 : i32, i32
  }
  func.func @transform_1(%arg0: i32) -> (i32, i32) {
    %c0_i32 = arith.constant 0 : i32
    %c0_i32_0 = arith.constant 0 : i32
    return %arg0, %c0_i32 : i32, i32
  }
  func.func @transform_2(%arg0: i32) -> (i32, i32) {
    %c0_i32 = arith.constant 0 : i32
    %c0_i32_0 = arith.constant 0 : i32
    %c0_i32_1 = arith.constant 0 : i32
    return %c0_i32, %c0_i32_0 : i32, i32
  }
  func.func @transform_3(%arg0: i32) -> (i32, i32) {
    %c0_i32 = arith.constant 0 : i32
    %c0_i32_0 = arith.constant 0 : i32
    %c0_i32_1 = arith.constant 0 : i32
    return %c0_i32, %c0_i32_0 : i32, i32
  }
  func.func @transform_4(%arg0: i32) -> (i32, i32) {
    %c0_i32 = arith.constant 0 : i32
    %c0_i32_0 = arith.constant 0 : i32
    %c0_i32_1 = arith.constant 0 : i32
    return %c0_i32, %c0_i32_0 : i32, i32
  }
  func.func @transform_5(%arg0: i32) -> (i32, i32) {
    %c0_i32 = arith.constant 0 : i32
    %c0_i32_0 = arith.constant 0 : i32
    %c0_i32_1 = arith.constant 0 : i32
    return %c0_i32, %c0_i32_0 : i32, i32
  }
  func.func @transform_6(%arg0: i32) -> (i32, i32) {
    %c0_i32 = arith.constant 0 : i32
    %c0_i32_0 = arith.constant 0 : i32
    %c0_i32_1 = arith.constant 0 : i32
    return %c0_i32, %c0_i32_0 : i32, i32
  }
  func.func @transform_7(%arg0: i32) -> (i32, i32) {
    %c0_i32 = arith.constant 0 : i32
    %c0_i32_0 = arith.constant 0 : i32
    %c0_i32_1 = arith.constant 0 : i32
    return %c0_i32, %c0_i32_0 : i32, i32
  }
  func.func @transform_8(%arg0: i32) -> (i32, i32) {
    %c0_i32 = arith.constant 0 : i32
    %c0_i32_0 = arith.constant 0 : i32
    %c0_i32_1 = arith.constant 0 : i32
    return %c0_i32, %c0_i32_0 : i32, i32
  }
  func.func @transform_9(%arg0: i32) -> (i32, i32) {
    %c0_i32 = arith.constant 0 : i32
    %c0_i32_0 = arith.constant 0 : i32
    %c0_i32_1 = arith.constant 0 : i32
    return %c0_i32, %c0_i32_0 : i32, i32
  }
  func.func @transform_10(%arg0: i32) -> (i32, i32) {
    %c0_i32 = arith.constant 0 : i32
    %c0_i32_0 = arith.constant 0 : i32
    return %arg0, %c0_i32 : i32, i32
  }
}

module attributes {stable_mosaic.version = 14 : i64} {
  func.func @_scale_kernel(%arg0: i32, %arg1: memref<4096x80xf32, #tpu.memory_space<vmem>>, %arg2: memref<4096x4xf32, #tpu.memory_space<vmem>>, %arg3: memref<96x64xf32, #tpu.memory_space<vmem>>, %arg4: memref<1x64xf32, #tpu.memory_space<vmem>>, %arg5: memref<1x64xf32, #tpu.memory_space<vmem>>, %arg6: memref<1x64xf32, #tpu.memory_space<vmem>>, %arg7: memref<64x64xf32, #tpu.memory_space<vmem>>, %arg8: memref<1x64xf32, #tpu.memory_space<vmem>>, %arg9: memref<1x64xf32, #tpu.memory_space<vmem>>, %arg10: memref<1x64xf32, #tpu.memory_space<vmem>>, %arg11: memref<64x64xf32, #tpu.memory_space<vmem>>) attributes {dimension_semantics = [#tpu.dimension_semantics<arbitrary>], iteration_bounds = array<i64: 32>, scalar_prefetch = 0 : i64, scratch_operands = 0 : i64, tpu.core_type = #tpu.core_type<tc>, window_params = [{transform_indices = @transform_0, window_bounds = array<i64: 4096, 80>}, {transform_indices = @transform_1, window_bounds = array<i64: 4096, 4>}, {pipeline_mode = #tpu.pipeline_mode<synchronous>, transform_indices = @transform_2, window_bounds = array<i64: 96, 64>}, {pipeline_mode = #tpu.pipeline_mode<synchronous>, transform_indices = @transform_3, window_bounds = array<i64: 1, 64>}, {pipeline_mode = #tpu.pipeline_mode<synchronous>, transform_indices = @transform_4, window_bounds = array<i64: 1, 64>}, {pipeline_mode = #tpu.pipeline_mode<synchronous>, transform_indices = @transform_5, window_bounds = array<i64: 1, 64>}, {pipeline_mode = #tpu.pipeline_mode<synchronous>, transform_indices = @transform_6, window_bounds = array<i64: 64, 64>}, {pipeline_mode = #tpu.pipeline_mode<synchronous>, transform_indices = @transform_7, window_bounds = array<i64: 1, 64>}, {pipeline_mode = #tpu.pipeline_mode<synchronous>, transform_indices = @transform_8, window_bounds = array<i64: 1, 64>}, {pipeline_mode = #tpu.pipeline_mode<synchronous>, transform_indices = @transform_9, window_bounds = array<i64: 1, 64>}, {transform_indices = @transform_10, window_bounds = array<i64: 64, 64>}]} {
    %get3A = arith.constant 0 : index
    %get3A_0 = arith.constant 0 : index
    %get3A_1 = vector.load %arg1[%get3A, %get3A_0] : memref<4096x80xf32, #tpu.memory_space<vmem>>, vector<4096x80xf32>
    %get3A_2 = arith.constant 0 : index
    %get3A_3 = arith.constant 0 : index
    %get3A_4 = vector.load %arg2[%get3A_2, %get3A_3] : memref<4096x4xf32, #tpu.memory_space<vmem>>, vector<4096x4xf32>
    %slice3A = vector.extract_strided_slice %get3A_1 {offsets = [0, 0], sizes = [4096, 64], strides = [1, 1]} : vector<4096x80xf32> to vector<4096x64xf32>
    %slice3A_5 = vector.extract_strided_slice %get3A_1 {offsets = [0, 64], sizes = [4096, 4], strides = [1, 1]} : vector<4096x80xf32> to vector<4096x4xf32>
    %sub3A = arith.subf %slice3A_5, %get3A_4 : vector<4096x4xf32>
    %iota3A = tpu.iota {dimensions = array<i32: 1>} : vector<1x4xi32>
    %convert_element_type3A = arith.sitofp %iota3A : vector<1x4xi32> to vector<1x4xf32>
    %mul3A = arith.constant -3.07011342 : f32
    %mul3A_6 = vector.broadcast %mul3A : f32 to vector<1x4xf32>
    %mul3A_7 = arith.mulf %convert_element_type3A, %mul3A_6 : vector<1x4xf32>
    %exp3A = math.exp %mul3A_7 : vector<1x4xf32>
    %slice3A_8 = vector.extract_strided_slice %sub3A {offsets = [0, 0], sizes = [4096, 1], strides = [1, 1]} : vector<4096x4xf32> to vector<4096x1xf32>
    %mul3A_9 = vector.broadcast %slice3A_8 : vector<4096x1xf32> to vector<4096x4xf32>
    %mul3A_10 = vector.broadcast %exp3A : vector<1x4xf32> to vector<4096x4xf32>
    %mul3A_11 = arith.mulf %mul3A_9, %mul3A_10 : vector<4096x4xf32>
    %sin3A = math.sin %mul3A_11 : vector<4096x4xf32>
    %cos3A = math.cos %mul3A_11 : vector<4096x4xf32>
    %slice3A_12 = vector.extract_strided_slice %sub3A {offsets = [0, 1], sizes = [4096, 1], strides = [1, 1]} : vector<4096x4xf32> to vector<4096x1xf32>
    %mul3A_13 = vector.broadcast %slice3A_12 : vector<4096x1xf32> to vector<4096x4xf32>
    %mul3A_14 = vector.broadcast %exp3A : vector<1x4xf32> to vector<4096x4xf32>
    %mul3A_15 = arith.mulf %mul3A_13, %mul3A_14 : vector<4096x4xf32>
    %sin3A_16 = math.sin %mul3A_15 : vector<4096x4xf32>
    %cos3A_17 = math.cos %mul3A_15 : vector<4096x4xf32>
    %slice3A_18 = vector.extract_strided_slice %sub3A {offsets = [0, 2], sizes = [4096, 1], strides = [1, 1]} : vector<4096x4xf32> to vector<4096x1xf32>
    %mul3A_19 = vector.broadcast %slice3A_18 : vector<4096x1xf32> to vector<4096x4xf32>
    %mul3A_20 = vector.broadcast %exp3A : vector<1x4xf32> to vector<4096x4xf32>
    %mul3A_21 = arith.mulf %mul3A_19, %mul3A_20 : vector<4096x4xf32>
    %sin3A_22 = math.sin %mul3A_21 : vector<4096x4xf32>
    %cos3A_23 = math.cos %mul3A_21 : vector<4096x4xf32>
    %broadcast_in_dim3A = arith.constant 0.000000e+00 : f32
    %broadcast_in_dim3A_24 = vector.broadcast %broadcast_in_dim3A : f32 to vector<4096x5xf32>
    %slice3A_25 = vector.extract_strided_slice %sub3A {offsets = [0, 0], sizes = [4096, 3], strides = [1, 1]} : vector<4096x4xf32> to vector<4096x3xf32>
    %concatenate3A = tpu.concatenate %slice3A, %slice3A_25, %sin3A, %cos3A, %sin3A_16, %cos3A_17, %sin3A_22, %cos3A_23, %broadcast_in_dim3A_24 in 1 : vector<4096x64xf32>, vector<4096x3xf32>, vector<4096x4xf32>, vector<4096x4xf32>, vector<4096x4xf32>, vector<4096x4xf32>, vector<4096x4xf32>, vector<4096x4xf32>, vector<4096x5xf32> -> vector<4096x96xf32>
    %get3A_26 = arith.constant 0 : index
    %get3A_27 = arith.constant 0 : index
    %get3A_28 = vector.load %arg3[%get3A_26, %get3A_27] : memref<96x64xf32, #tpu.memory_space<vmem>>, vector<96x64xf32>
    %dot_general3A = arith.constant dense<0.000000e+00> : vector<4096x64xf32>
    %dot_general3A_29 = tpu.matmul %concatenate3A, %get3A_28, %dot_general3A {dimension_numbers = #tpu.dot_dimension_numbers<[1], [0], [0], [1], [0, 0, 1, 1], [], []>, transpose_lhs_hint = false} : vector<4096x96xf32>, vector<96x64xf32>, vector<4096x64xf32> -> vector<4096x64xf32>
    %get3A_30 = arith.constant 0 : index
    %get3A_31 = arith.constant 0 : index
    %get3A_32 = vector.load %arg4[%get3A_30, %get3A_31] : memref<1x64xf32, #tpu.memory_space<vmem>>, vector<1x64xf32>
    %add3A = vector.broadcast %get3A_32 : vector<1x64xf32> to vector<4096x64xf32>
    %add3A_33 = arith.addf %dot_general3A_29, %add3A : vector<4096x64xf32>
    %get3A_34 = arith.constant 0 : index
    %get3A_35 = arith.constant 0 : index
    %get3A_36 = vector.load %arg5[%get3A_34, %get3A_35] : memref<1x64xf32, #tpu.memory_space<vmem>>, vector<1x64xf32>
    %get3A_37 = arith.constant 0 : index
    %get3A_38 = arith.constant 0 : index
    %get3A_39 = vector.load %arg6[%get3A_37, %get3A_38] : memref<1x64xf32, #tpu.memory_space<vmem>>, vector<1x64xf32>
    %reduce_sum3A = arith.constant dense<0.000000e+00> : vector<4096xf32>
    %reduce_sum3A_40 = vector.multi_reduction <add>, %add3A_33, %reduce_sum3A [1] : vector<4096x64xf32> to vector<4096xf32>
    %broadcast_in_dim3A_41 = vector.shape_cast %reduce_sum3A_40 : vector<4096xf32> to vector<4096x1xf32>
    %div3A = arith.constant 6.400000e+01 : f32
    %div3A_42 = vector.broadcast %div3A : f32 to vector<4096x1xf32>
    %div3A_43 = arith.divf %broadcast_in_dim3A_41, %div3A_42 : vector<4096x1xf32>
    %sub3A_44 = vector.broadcast %div3A_43 : vector<4096x1xf32> to vector<4096x64xf32>
    %sub3A_45 = arith.subf %add3A_33, %sub3A_44 : vector<4096x64xf32>
    %mul3A_46 = arith.mulf %sub3A_45, %sub3A_45 : vector<4096x64xf32>
    %reduce_sum3A_47 = arith.constant dense<0.000000e+00> : vector<4096xf32>
    %reduce_sum3A_48 = vector.multi_reduction <add>, %mul3A_46, %reduce_sum3A_47 [1] : vector<4096x64xf32> to vector<4096xf32>
    %broadcast_in_dim3A_49 = vector.shape_cast %reduce_sum3A_48 : vector<4096xf32> to vector<4096x1xf32>
    %div3A_50 = arith.constant 6.400000e+01 : f32
    %div3A_51 = vector.broadcast %div3A_50 : f32 to vector<4096x1xf32>
    %div3A_52 = arith.divf %broadcast_in_dim3A_49, %div3A_51 : vector<4096x1xf32>
    %add3A_53 = arith.constant 9.99999974E-6 : f32
    %add3A_54 = vector.broadcast %add3A_53 : f32 to vector<4096x1xf32>
    %add3A_55 = arith.addf %div3A_52, %add3A_54 : vector<4096x1xf32>
    %sqrt3A = math.sqrt %add3A_55 : vector<4096x1xf32>
    %div3A_56 = vector.broadcast %sqrt3A : vector<4096x1xf32> to vector<4096x64xf32>
    %div3A_57 = arith.divf %sub3A_45, %div3A_56 : vector<4096x64xf32>
    %mul3A_58 = vector.broadcast %get3A_36 : vector<1x64xf32> to vector<4096x64xf32>
    %mul3A_59 = arith.mulf %div3A_57, %mul3A_58 : vector<4096x64xf32>
    %add3A_60 = vector.broadcast %get3A_39 : vector<1x64xf32> to vector<4096x64xf32>
    %add3A_61 = arith.addf %mul3A_59, %add3A_60 : vector<4096x64xf32>
    %mul3A_62 = arith.constant 5.000000e-01 : f32
    %mul3A_63 = vector.broadcast %mul3A_62 : f32 to vector<4096x64xf32>
    %mul3A_64 = arith.mulf %add3A_61, %mul3A_63 : vector<4096x64xf32>
    %mul3A_65 = arith.constant 0.707106769 : f32
    %mul3A_66 = vector.broadcast %mul3A_65 : f32 to vector<4096x64xf32>
    %mul3A_67 = arith.mulf %add3A_61, %mul3A_66 : vector<4096x64xf32>
    %erf3A = math.erf %mul3A_67 : vector<4096x64xf32>
    %add3A_68 = arith.constant 1.000000e+00 : f32
    %add3A_69 = vector.broadcast %add3A_68 : f32 to vector<4096x64xf32>
    %add3A_70 = arith.addf %add3A_69, %erf3A : vector<4096x64xf32>
    %mul3A_71 = arith.mulf %mul3A_64, %add3A_70 : vector<4096x64xf32>
    %get3A_72 = arith.constant 0 : index
    %get3A_73 = arith.constant 0 : index
    %get3A_74 = vector.load %arg7[%get3A_72, %get3A_73] : memref<64x64xf32, #tpu.memory_space<vmem>>, vector<64x64xf32>
    %dot_general3A_75 = arith.constant dense<0.000000e+00> : vector<4096x64xf32>
    %dot_general3A_76 = tpu.matmul %mul3A_71, %get3A_74, %dot_general3A_75 {dimension_numbers = #tpu.dot_dimension_numbers<[1], [0], [0], [1], [0, 0, 1, 1], [], []>, transpose_lhs_hint = false} : vector<4096x64xf32>, vector<64x64xf32>, vector<4096x64xf32> -> vector<4096x64xf32>
    %get3A_77 = arith.constant 0 : index
    %get3A_78 = arith.constant 0 : index
    %get3A_79 = vector.load %arg8[%get3A_77, %get3A_78] : memref<1x64xf32, #tpu.memory_space<vmem>>, vector<1x64xf32>
    %add3A_80 = vector.broadcast %get3A_79 : vector<1x64xf32> to vector<4096x64xf32>
    %add3A_81 = arith.addf %dot_general3A_76, %add3A_80 : vector<4096x64xf32>
    %get3A_82 = arith.constant 0 : index
    %get3A_83 = arith.constant 0 : index
    %get3A_84 = vector.load %arg9[%get3A_82, %get3A_83] : memref<1x64xf32, #tpu.memory_space<vmem>>, vector<1x64xf32>
    %get3A_85 = arith.constant 0 : index
    %get3A_86 = arith.constant 0 : index
    %get3A_87 = vector.load %arg10[%get3A_85, %get3A_86] : memref<1x64xf32, #tpu.memory_space<vmem>>, vector<1x64xf32>
    %reduce_sum3A_88 = arith.constant dense<0.000000e+00> : vector<4096xf32>
    %reduce_sum3A_89 = vector.multi_reduction <add>, %add3A_81, %reduce_sum3A_88 [1] : vector<4096x64xf32> to vector<4096xf32>
    %broadcast_in_dim3A_90 = vector.shape_cast %reduce_sum3A_89 : vector<4096xf32> to vector<4096x1xf32>
    %div3A_91 = arith.constant 6.400000e+01 : f32
    %div3A_92 = vector.broadcast %div3A_91 : f32 to vector<4096x1xf32>
    %div3A_93 = arith.divf %broadcast_in_dim3A_90, %div3A_92 : vector<4096x1xf32>
    %sub3A_94 = vector.broadcast %div3A_93 : vector<4096x1xf32> to vector<4096x64xf32>
    %sub3A_95 = arith.subf %add3A_81, %sub3A_94 : vector<4096x64xf32>
    %mul3A_96 = arith.mulf %sub3A_95, %sub3A_95 : vector<4096x64xf32>
    %reduce_sum3A_97 = arith.constant dense<0.000000e+00> : vector<4096xf32>
    %reduce_sum3A_98 = vector.multi_reduction <add>, %mul3A_96, %reduce_sum3A_97 [1] : vector<4096x64xf32> to vector<4096xf32>
    %broadcast_in_dim3A_99 = vector.shape_cast %reduce_sum3A_98 : vector<4096xf32> to vector<4096x1xf32>
    %div3A_100 = arith.constant 6.400000e+01 : f32
    %div3A_101 = vector.broadcast %div3A_100 : f32 to vector<4096x1xf32>
    %div3A_102 = arith.divf %broadcast_in_dim3A_99, %div3A_101 : vector<4096x1xf32>
    %add3A_103 = arith.constant 9.99999974E-6 : f32
    %add3A_104 = vector.broadcast %add3A_103 : f32 to vector<4096x1xf32>
    %add3A_105 = arith.addf %div3A_102, %add3A_104 : vector<4096x1xf32>
    %sqrt3A_106 = math.sqrt %add3A_105 : vector<4096x1xf32>
    %div3A_107 = vector.broadcast %sqrt3A_106 : vector<4096x1xf32> to vector<4096x64xf32>
    %div3A_108 = arith.divf %sub3A_95, %div3A_107 : vector<4096x64xf32>
    %mul3A_109 = vector.broadcast %get3A_84 : vector<1x64xf32> to vector<4096x64xf32>
    %mul3A_110 = arith.mulf %div3A_108, %mul3A_109 : vector<4096x64xf32>
    %add3A_111 = vector.broadcast %get3A_87 : vector<1x64xf32> to vector<4096x64xf32>
    %add3A_112 = arith.addf %mul3A_110, %add3A_111 : vector<4096x64xf32>
    %slice3A_113 = vector.extract_strided_slice %add3A_112 {offsets = [0, 0], sizes = [64, 64], strides = [1, 1]} : vector<4096x64xf32> to vector<64x64xf32>
    %slice3A_114 = vector.extract_strided_slice %add3A_112 {offsets = [64, 0], sizes = [64, 64], strides = [1, 1]} : vector<4096x64xf32> to vector<64x64xf32>
    %max3A = arith.maximumf %slice3A_113, %slice3A_114 : vector<64x64xf32>
    %slice3A_115 = vector.extract_strided_slice %add3A_112 {offsets = [128, 0], sizes = [64, 64], strides = [1, 1]} : vector<4096x64xf32> to vector<64x64xf32>
    %max3A_116 = arith.maximumf %max3A, %slice3A_115 : vector<64x64xf32>
    %slice3A_117 = vector.extract_strided_slice %add3A_112 {offsets = [192, 0], sizes = [64, 64], strides = [1, 1]} : vector<4096x64xf32> to vector<64x64xf32>
    %max3A_118 = arith.maximumf %max3A_116, %slice3A_117 : vector<64x64xf32>
    %slice3A_119 = vector.extract_strided_slice %add3A_112 {offsets = [256, 0], sizes = [64, 64], strides = [1, 1]} : vector<4096x64xf32> to vector<64x64xf32>
    %max3A_120 = arith.maximumf %max3A_118, %slice3A_119 : vector<64x64xf32>
    %slice3A_121 = vector.extract_strided_slice %add3A_112 {offsets = [320, 0], sizes = [64, 64], strides = [1, 1]} : vector<4096x64xf32> to vector<64x64xf32>
    %max3A_122 = arith.maximumf %max3A_120, %slice3A_121 : vector<64x64xf32>
    %slice3A_123 = vector.extract_strided_slice %add3A_112 {offsets = [384, 0], sizes = [64, 64], strides = [1, 1]} : vector<4096x64xf32> to vector<64x64xf32>
    %max3A_124 = arith.maximumf %max3A_122, %slice3A_123 : vector<64x64xf32>
    %slice3A_125 = vector.extract_strided_slice %add3A_112 {offsets = [448, 0], sizes = [64, 64], strides = [1, 1]} : vector<4096x64xf32> to vector<64x64xf32>
    %max3A_126 = arith.maximumf %max3A_124, %slice3A_125 : vector<64x64xf32>
    %slice3A_127 = vector.extract_strided_slice %add3A_112 {offsets = [512, 0], sizes = [64, 64], strides = [1, 1]} : vector<4096x64xf32> to vector<64x64xf32>
    %max3A_128 = arith.maximumf %max3A_126, %slice3A_127 : vector<64x64xf32>
    %slice3A_129 = vector.extract_strided_slice %add3A_112 {offsets = [576, 0], sizes = [64, 64], strides = [1, 1]} : vector<4096x64xf32> to vector<64x64xf32>
    %max3A_130 = arith.maximumf %max3A_128, %slice3A_129 : vector<64x64xf32>
    %slice3A_131 = vector.extract_strided_slice %add3A_112 {offsets = [640, 0], sizes = [64, 64], strides = [1, 1]} : vector<4096x64xf32> to vector<64x64xf32>
    %max3A_132 = arith.maximumf %max3A_130, %slice3A_131 : vector<64x64xf32>
    %slice3A_133 = vector.extract_strided_slice %add3A_112 {offsets = [704, 0], sizes = [64, 64], strides = [1, 1]} : vector<4096x64xf32> to vector<64x64xf32>
    %max3A_134 = arith.maximumf %max3A_132, %slice3A_133 : vector<64x64xf32>
    %slice3A_135 = vector.extract_strided_slice %add3A_112 {offsets = [768, 0], sizes = [64, 64], strides = [1, 1]} : vector<4096x64xf32> to vector<64x64xf32>
    %max3A_136 = arith.maximumf %max3A_134, %slice3A_135 : vector<64x64xf32>
    %slice3A_137 = vector.extract_strided_slice %add3A_112 {offsets = [832, 0], sizes = [64, 64], strides = [1, 1]} : vector<4096x64xf32> to vector<64x64xf32>
    %max3A_138 = arith.maximumf %max3A_136, %slice3A_137 : vector<64x64xf32>
    %slice3A_139 = vector.extract_strided_slice %add3A_112 {offsets = [896, 0], sizes = [64, 64], strides = [1, 1]} : vector<4096x64xf32> to vector<64x64xf32>
    %max3A_140 = arith.maximumf %max3A_138, %slice3A_139 : vector<64x64xf32>
    %slice3A_141 = vector.extract_strided_slice %add3A_112 {offsets = [960, 0], sizes = [64, 64], strides = [1, 1]} : vector<4096x64xf32> to vector<64x64xf32>
    %max3A_142 = arith.maximumf %max3A_140, %slice3A_141 : vector<64x64xf32>
    %slice3A_143 = vector.extract_strided_slice %add3A_112 {offsets = [1024, 0], sizes = [64, 64], strides = [1, 1]} : vector<4096x64xf32> to vector<64x64xf32>
    %max3A_144 = arith.maximumf %max3A_142, %slice3A_143 : vector<64x64xf32>
    %slice3A_145 = vector.extract_strided_slice %add3A_112 {offsets = [1088, 0], sizes = [64, 64], strides = [1, 1]} : vector<4096x64xf32> to vector<64x64xf32>
    %max3A_146 = arith.maximumf %max3A_144, %slice3A_145 : vector<64x64xf32>
    %slice3A_147 = vector.extract_strided_slice %add3A_112 {offsets = [1152, 0], sizes = [64, 64], strides = [1, 1]} : vector<4096x64xf32> to vector<64x64xf32>
    %max3A_148 = arith.maximumf %max3A_146, %slice3A_147 : vector<64x64xf32>
    %slice3A_149 = vector.extract_strided_slice %add3A_112 {offsets = [1216, 0], sizes = [64, 64], strides = [1, 1]} : vector<4096x64xf32> to vector<64x64xf32>
    %max3A_150 = arith.maximumf %max3A_148, %slice3A_149 : vector<64x64xf32>
    %slice3A_151 = vector.extract_strided_slice %add3A_112 {offsets = [1280, 0], sizes = [64, 64], strides = [1, 1]} : vector<4096x64xf32> to vector<64x64xf32>
    %max3A_152 = arith.maximumf %max3A_150, %slice3A_151 : vector<64x64xf32>
    %slice3A_153 = vector.extract_strided_slice %add3A_112 {offsets = [1344, 0], sizes = [64, 64], strides = [1, 1]} : vector<4096x64xf32> to vector<64x64xf32>
    %max3A_154 = arith.maximumf %max3A_152, %slice3A_153 : vector<64x64xf32>
    %slice3A_155 = vector.extract_strided_slice %add3A_112 {offsets = [1408, 0], sizes = [64, 64], strides = [1, 1]} : vector<4096x64xf32> to vector<64x64xf32>
    %max3A_156 = arith.maximumf %max3A_154, %slice3A_155 : vector<64x64xf32>
    %slice3A_157 = vector.extract_strided_slice %add3A_112 {offsets = [1472, 0], sizes = [64, 64], strides = [1, 1]} : vector<4096x64xf32> to vector<64x64xf32>
    %max3A_158 = arith.maximumf %max3A_156, %slice3A_157 : vector<64x64xf32>
    %slice3A_159 = vector.extract_strided_slice %add3A_112 {offsets = [1536, 0], sizes = [64, 64], strides = [1, 1]} : vector<4096x64xf32> to vector<64x64xf32>
    %max3A_160 = arith.maximumf %max3A_158, %slice3A_159 : vector<64x64xf32>
    %slice3A_161 = vector.extract_strided_slice %add3A_112 {offsets = [1600, 0], sizes = [64, 64], strides = [1, 1]} : vector<4096x64xf32> to vector<64x64xf32>
    %max3A_162 = arith.maximumf %max3A_160, %slice3A_161 : vector<64x64xf32>
    %slice3A_163 = vector.extract_strided_slice %add3A_112 {offsets = [1664, 0], sizes = [64, 64], strides = [1, 1]} : vector<4096x64xf32> to vector<64x64xf32>
    %max3A_164 = arith.maximumf %max3A_162, %slice3A_163 : vector<64x64xf32>
    %slice3A_165 = vector.extract_strided_slice %add3A_112 {offsets = [1728, 0], sizes = [64, 64], strides = [1, 1]} : vector<4096x64xf32> to vector<64x64xf32>
    %max3A_166 = arith.maximumf %max3A_164, %slice3A_165 : vector<64x64xf32>
    %slice3A_167 = vector.extract_strided_slice %add3A_112 {offsets = [1792, 0], sizes = [64, 64], strides = [1, 1]} : vector<4096x64xf32> to vector<64x64xf32>
    %max3A_168 = arith.maximumf %max3A_166, %slice3A_167 : vector<64x64xf32>
    %slice3A_169 = vector.extract_strided_slice %add3A_112 {offsets = [1856, 0], sizes = [64, 64], strides = [1, 1]} : vector<4096x64xf32> to vector<64x64xf32>
    %max3A_170 = arith.maximumf %max3A_168, %slice3A_169 : vector<64x64xf32>
    %slice3A_171 = vector.extract_strided_slice %add3A_112 {offsets = [1920, 0], sizes = [64, 64], strides = [1, 1]} : vector<4096x64xf32> to vector<64x64xf32>
    %max3A_172 = arith.maximumf %max3A_170, %slice3A_171 : vector<64x64xf32>
    %slice3A_173 = vector.extract_strided_slice %add3A_112 {offsets = [1984, 0], sizes = [64, 64], strides = [1, 1]} : vector<4096x64xf32> to vector<64x64xf32>
    %max3A_174 = arith.maximumf %max3A_172, %slice3A_173 : vector<64x64xf32>
    %slice3A_175 = vector.extract_strided_slice %add3A_112 {offsets = [2048, 0], sizes = [64, 64], strides = [1, 1]} : vector<4096x64xf32> to vector<64x64xf32>
    %max3A_176 = arith.maximumf %max3A_174, %slice3A_175 : vector<64x64xf32>
    %slice3A_177 = vector.extract_strided_slice %add3A_112 {offsets = [2112, 0], sizes = [64, 64], strides = [1, 1]} : vector<4096x64xf32> to vector<64x64xf32>
    %max3A_178 = arith.maximumf %max3A_176, %slice3A_177 : vector<64x64xf32>
    %slice3A_179 = vector.extract_strided_slice %add3A_112 {offsets = [2176, 0], sizes = [64, 64], strides = [1, 1]} : vector<4096x64xf32> to vector<64x64xf32>
    %max3A_180 = arith.maximumf %max3A_178, %slice3A_179 : vector<64x64xf32>
    %slice3A_181 = vector.extract_strided_slice %add3A_112 {offsets = [2240, 0], sizes = [64, 64], strides = [1, 1]} : vector<4096x64xf32> to vector<64x64xf32>
    %max3A_182 = arith.maximumf %max3A_180, %slice3A_181 : vector<64x64xf32>
    %slice3A_183 = vector.extract_strided_slice %add3A_112 {offsets = [2304, 0], sizes = [64, 64], strides = [1, 1]} : vector<4096x64xf32> to vector<64x64xf32>
    %max3A_184 = arith.maximumf %max3A_182, %slice3A_183 : vector<64x64xf32>
    %slice3A_185 = vector.extract_strided_slice %add3A_112 {offsets = [2368, 0], sizes = [64, 64], strides = [1, 1]} : vector<4096x64xf32> to vector<64x64xf32>
    %max3A_186 = arith.maximumf %max3A_184, %slice3A_185 : vector<64x64xf32>
    %slice3A_187 = vector.extract_strided_slice %add3A_112 {offsets = [2432, 0], sizes = [64, 64], strides = [1, 1]} : vector<4096x64xf32> to vector<64x64xf32>
    %max3A_188 = arith.maximumf %max3A_186, %slice3A_187 : vector<64x64xf32>
    %slice3A_189 = vector.extract_strided_slice %add3A_112 {offsets = [2496, 0], sizes = [64, 64], strides = [1, 1]} : vector<4096x64xf32> to vector<64x64xf32>
    %max3A_190 = arith.maximumf %max3A_188, %slice3A_189 : vector<64x64xf32>
    %slice3A_191 = vector.extract_strided_slice %add3A_112 {offsets = [2560, 0], sizes = [64, 64], strides = [1, 1]} : vector<4096x64xf32> to vector<64x64xf32>
    %max3A_192 = arith.maximumf %max3A_190, %slice3A_191 : vector<64x64xf32>
    %slice3A_193 = vector.extract_strided_slice %add3A_112 {offsets = [2624, 0], sizes = [64, 64], strides = [1, 1]} : vector<4096x64xf32> to vector<64x64xf32>
    %max3A_194 = arith.maximumf %max3A_192, %slice3A_193 : vector<64x64xf32>
    %slice3A_195 = vector.extract_strided_slice %add3A_112 {offsets = [2688, 0], sizes = [64, 64], strides = [1, 1]} : vector<4096x64xf32> to vector<64x64xf32>
    %max3A_196 = arith.maximumf %max3A_194, %slice3A_195 : vector<64x64xf32>
    %slice3A_197 = vector.extract_strided_slice %add3A_112 {offsets = [2752, 0], sizes = [64, 64], strides = [1, 1]} : vector<4096x64xf32> to vector<64x64xf32>
    %max3A_198 = arith.maximumf %max3A_196, %slice3A_197 : vector<64x64xf32>
    %slice3A_199 = vector.extract_strided_slice %add3A_112 {offsets = [2816, 0], sizes = [64, 64], strides = [1, 1]} : vector<4096x64xf32> to vector<64x64xf32>
    %max3A_200 = arith.maximumf %max3A_198, %slice3A_199 : vector<64x64xf32>
    %slice3A_201 = vector.extract_strided_slice %add3A_112 {offsets = [2880, 0], sizes = [64, 64], strides = [1, 1]} : vector<4096x64xf32> to vector<64x64xf32>
    %max3A_202 = arith.maximumf %max3A_200, %slice3A_201 : vector<64x64xf32>
    %slice3A_203 = vector.extract_strided_slice %add3A_112 {offsets = [2944, 0], sizes = [64, 64], strides = [1, 1]} : vector<4096x64xf32> to vector<64x64xf32>
    %max3A_204 = arith.maximumf %max3A_202, %slice3A_203 : vector<64x64xf32>
    %slice3A_205 = vector.extract_strided_slice %add3A_112 {offsets = [3008, 0], sizes = [64, 64], strides = [1, 1]} : vector<4096x64xf32> to vector<64x64xf32>
    %max3A_206 = arith.maximumf %max3A_204, %slice3A_205 : vector<64x64xf32>
    %slice3A_207 = vector.extract_strided_slice %add3A_112 {offsets = [3072, 0], sizes = [64, 64], strides = [1, 1]} : vector<4096x64xf32> to vector<64x64xf32>
    %max3A_208 = arith.maximumf %max3A_206, %slice3A_207 : vector<64x64xf32>
    %slice3A_209 = vector.extract_strided_slice %add3A_112 {offsets = [3136, 0], sizes = [64, 64], strides = [1, 1]} : vector<4096x64xf32> to vector<64x64xf32>
    %max3A_210 = arith.maximumf %max3A_208, %slice3A_209 : vector<64x64xf32>
    %slice3A_211 = vector.extract_strided_slice %add3A_112 {offsets = [3200, 0], sizes = [64, 64], strides = [1, 1]} : vector<4096x64xf32> to vector<64x64xf32>
    %max3A_212 = arith.maximumf %max3A_210, %slice3A_211 : vector<64x64xf32>
    %slice3A_213 = vector.extract_strided_slice %add3A_112 {offsets = [3264, 0], sizes = [64, 64], strides = [1, 1]} : vector<4096x64xf32> to vector<64x64xf32>
    %max3A_214 = arith.maximumf %max3A_212, %slice3A_213 : vector<64x64xf32>
    %slice3A_215 = vector.extract_strided_slice %add3A_112 {offsets = [3328, 0], sizes = [64, 64], strides = [1, 1]} : vector<4096x64xf32> to vector<64x64xf32>
    %max3A_216 = arith.maximumf %max3A_214, %slice3A_215 : vector<64x64xf32>
    %slice3A_217 = vector.extract_strided_slice %add3A_112 {offsets = [3392, 0], sizes = [64, 64], strides = [1, 1]} : vector<4096x64xf32> to vector<64x64xf32>
    %max3A_218 = arith.maximumf %max3A_216, %slice3A_217 : vector<64x64xf32>
    %slice3A_219 = vector.extract_strided_slice %add3A_112 {offsets = [3456, 0], sizes = [64, 64], strides = [1, 1]} : vector<4096x64xf32> to vector<64x64xf32>
    %max3A_220 = arith.maximumf %max3A_218, %slice3A_219 : vector<64x64xf32>
    %slice3A_221 = vector.extract_strided_slice %add3A_112 {offsets = [3520, 0], sizes = [64, 64], strides = [1, 1]} : vector<4096x64xf32> to vector<64x64xf32>
    %max3A_222 = arith.maximumf %max3A_220, %slice3A_221 : vector<64x64xf32>
    %slice3A_223 = vector.extract_strided_slice %add3A_112 {offsets = [3584, 0], sizes = [64, 64], strides = [1, 1]} : vector<4096x64xf32> to vector<64x64xf32>
    %max3A_224 = arith.maximumf %max3A_222, %slice3A_223 : vector<64x64xf32>
    %slice3A_225 = vector.extract_strided_slice %add3A_112 {offsets = [3648, 0], sizes = [64, 64], strides = [1, 1]} : vector<4096x64xf32> to vector<64x64xf32>
    %max3A_226 = arith.maximumf %max3A_224, %slice3A_225 : vector<64x64xf32>
    %slice3A_227 = vector.extract_strided_slice %add3A_112 {offsets = [3712, 0], sizes = [64, 64], strides = [1, 1]} : vector<4096x64xf32> to vector<64x64xf32>
    %max3A_228 = arith.maximumf %max3A_226, %slice3A_227 : vector<64x64xf32>
    %slice3A_229 = vector.extract_strided_slice %add3A_112 {offsets = [3776, 0], sizes = [64, 64], strides = [1, 1]} : vector<4096x64xf32> to vector<64x64xf32>
    %max3A_230 = arith.maximumf %max3A_228, %slice3A_229 : vector<64x64xf32>
    %slice3A_231 = vector.extract_strided_slice %add3A_112 {offsets = [3840, 0], sizes = [64, 64], strides = [1, 1]} : vector<4096x64xf32> to vector<64x64xf32>
    %max3A_232 = arith.maximumf %max3A_230, %slice3A_231 : vector<64x64xf32>
    %slice3A_233 = vector.extract_strided_slice %add3A_112 {offsets = [3904, 0], sizes = [64, 64], strides = [1, 1]} : vector<4096x64xf32> to vector<64x64xf32>
    %max3A_234 = arith.maximumf %max3A_232, %slice3A_233 : vector<64x64xf32>
    %slice3A_235 = vector.extract_strided_slice %add3A_112 {offsets = [3968, 0], sizes = [64, 64], strides = [1, 1]} : vector<4096x64xf32> to vector<64x64xf32>
    %max3A_236 = arith.maximumf %max3A_234, %slice3A_235 : vector<64x64xf32>
    %slice3A_237 = vector.extract_strided_slice %add3A_112 {offsets = [4032, 0], sizes = [64, 64], strides = [1, 1]} : vector<4096x64xf32> to vector<64x64xf32>
    %max3A_238 = arith.maximumf %max3A_236, %slice3A_237 : vector<64x64xf32>
    %swap3A = arith.constant 0 : index
    %swap3A_239 = arith.constant 0 : index
    %swap3A_240 = vector.load %arg11[%swap3A, %swap3A_239] : memref<64x64xf32, #tpu.memory_space<vmem>>, vector<64x64xf32>
    tpu.vector_store %arg11[%swap3A, %swap3A_239], %max3A_238 {strides = array<i32>} : memref<64x64xf32, #tpu.memory_space<vmem>>, vector<64x64xf32>,
    return
  }
  func.func @transform_0(%arg0: i32) -> (i32, i32) {
    %c0_i32 = arith.constant 0 : i32
    %c0_i32_0 = arith.constant 0 : i32
    return %arg0, %c0_i32 : i32, i32
  }
  func.func @transform_1(%arg0: i32) -> (i32, i32) {
    %c0_i32 = arith.constant 0 : i32
    %c0_i32_0 = arith.constant 0 : i32
    return %arg0, %c0_i32 : i32, i32
  }
  func.func @transform_2(%arg0: i32) -> (i32, i32) {
    %c0_i32 = arith.constant 0 : i32
    %c0_i32_0 = arith.constant 0 : i32
    %c0_i32_1 = arith.constant 0 : i32
    return %c0_i32, %c0_i32_0 : i32, i32
  }
  func.func @transform_3(%arg0: i32) -> (i32, i32) {
    %c0_i32 = arith.constant 0 : i32
    %c0_i32_0 = arith.constant 0 : i32
    %c0_i32_1 = arith.constant 0 : i32
    return %c0_i32, %c0_i32_0 : i32, i32
  }
  func.func @transform_4(%arg0: i32) -> (i32, i32) {
    %c0_i32 = arith.constant 0 : i32
    %c0_i32_0 = arith.constant 0 : i32
    %c0_i32_1 = arith.constant 0 : i32
    return %c0_i32, %c0_i32_0 : i32, i32
  }
  func.func @transform_5(%arg0: i32) -> (i32, i32) {
    %c0_i32 = arith.constant 0 : i32
    %c0_i32_0 = arith.constant 0 : i32
    %c0_i32_1 = arith.constant 0 : i32
    return %c0_i32, %c0_i32_0 : i32, i32
  }
  func.func @transform_6(%arg0: i32) -> (i32, i32) {
    %c0_i32 = arith.constant 0 : i32
    %c0_i32_0 = arith.constant 0 : i32
    %c0_i32_1 = arith.constant 0 : i32
    return %c0_i32, %c0_i32_0 : i32, i32
  }
  func.func @transform_7(%arg0: i32) -> (i32, i32) {
    %c0_i32 = arith.constant 0 : i32
    %c0_i32_0 = arith.constant 0 : i32
    %c0_i32_1 = arith.constant 0 : i32
    return %c0_i32, %c0_i32_0 : i32, i32
  }
  func.func @transform_8(%arg0: i32) -> (i32, i32) {
    %c0_i32 = arith.constant 0 : i32
    %c0_i32_0 = arith.constant 0 : i32
    %c0_i32_1 = arith.constant 0 : i32
    return %c0_i32, %c0_i32_0 : i32, i32
  }
  func.func @transform_9(%arg0: i32) -> (i32, i32) {
    %c0_i32 = arith.constant 0 : i32
    %c0_i32_0 = arith.constant 0 : i32
    %c0_i32_1 = arith.constant 0 : i32
    return %c0_i32, %c0_i32_0 : i32, i32
  }
  func.func @transform_10(%arg0: i32) -> (i32, i32) {
    %c0_i32 = arith.constant 0 : i32
    %c0_i32_0 = arith.constant 0 : i32
    return %arg0, %c0_i32 : i32, i32
  }
}

module attributes {stable_mosaic.version = 14 : i64} {
  func.func @_token_kernel(%arg0: memref<2048x64xf32, #tpu.memory_space<vmem>>, %arg1: memref<2048x64xf32, #tpu.memory_space<vmem>>, %arg2: memref<2048x64xf32, #tpu.memory_space<vmem>>, %arg3: memref<2048x64xf32, #tpu.memory_space<vmem>>, %arg4: memref<2048x4xf32, #tpu.memory_space<vmem>>, %arg5: memref<352x64xf32, #tpu.memory_space<vmem>>, %arg6: memref<1x64xf32, #tpu.memory_space<vmem>>, %arg7: memref<1x64xf32, #tpu.memory_space<vmem>>, %arg8: memref<1x64xf32, #tpu.memory_space<vmem>>, %arg9: memref<64x64xf32, #tpu.memory_space<vmem>>, %arg10: memref<1x64xf32, #tpu.memory_space<vmem>>, %arg11: memref<1x64xf32, #tpu.memory_space<vmem>>, %arg12: memref<1x64xf32, #tpu.memory_space<vmem>>, %arg13: memref<2048x64xf32, #tpu.memory_space<vmem>>) attributes {dimension_semantics = [], scalar_prefetch = 0 : i64, scratch_operands = 0 : i64, tpu.core_type = #tpu.core_type<tc>} {
    %get3A = arith.constant 0 : index
    %get3A_0 = arith.constant 0 : index
    %get3A_1 = vector.load %arg4[%get3A, %get3A_0] : memref<2048x4xf32, #tpu.memory_space<vmem>>, vector<2048x4xf32>
    %iota3A = tpu.iota {dimensions = array<i32: 1>} : vector<1x16xi32>
    %convert_element_type3A = arith.sitofp %iota3A : vector<1x16xi32> to vector<1x16xf32>
    %mul3A = arith.constant -0.614022672 : f32
    %mul3A_2 = vector.broadcast %mul3A : f32 to vector<1x16xf32>
    %mul3A_3 = arith.mulf %convert_element_type3A, %mul3A_2 : vector<1x16xf32>
    %exp3A = math.exp %mul3A_3 : vector<1x16xf32>
    %slice3A = vector.extract_strided_slice %get3A_1 {offsets = [0, 0], sizes = [2048, 1], strides = [1, 1]} : vector<2048x4xf32> to vector<2048x1xf32>
    %mul3A_4 = vector.broadcast %slice3A : vector<2048x1xf32> to vector<2048x16xf32>
    %mul3A_5 = vector.broadcast %exp3A : vector<1x16xf32> to vector<2048x16xf32>
    %mul3A_6 = arith.mulf %mul3A_4, %mul3A_5 : vector<2048x16xf32>
    %sin3A = math.sin %mul3A_6 : vector<2048x16xf32>
    %cos3A = math.cos %mul3A_6 : vector<2048x16xf32>
    %slice3A_7 = vector.extract_strided_slice %get3A_1 {offsets = [0, 1], sizes = [2048, 1], strides = [1, 1]} : vector<2048x4xf32> to vector<2048x1xf32>
    %mul3A_8 = vector.broadcast %slice3A_7 : vector<2048x1xf32> to vector<2048x16xf32>
    %mul3A_9 = vector.broadcast %exp3A : vector<1x16xf32> to vector<2048x16xf32>
    %mul3A_10 = arith.mulf %mul3A_8, %mul3A_9 : vector<2048x16xf32>
    %sin3A_11 = math.sin %mul3A_10 : vector<2048x16xf32>
    %cos3A_12 = math.cos %mul3A_10 : vector<2048x16xf32>
    %slice3A_13 = vector.extract_strided_slice %get3A_1 {offsets = [0, 2], sizes = [2048, 1], strides = [1, 1]} : vector<2048x4xf32> to vector<2048x1xf32>
    %mul3A_14 = vector.broadcast %slice3A_13 : vector<2048x1xf32> to vector<2048x16xf32>
    %mul3A_15 = vector.broadcast %exp3A : vector<1x16xf32> to vector<2048x16xf32>
    %mul3A_16 = arith.mulf %mul3A_14, %mul3A_15 : vector<2048x16xf32>
    %sin3A_17 = math.sin %mul3A_16 : vector<2048x16xf32>
    %cos3A_18 = math.cos %mul3A_16 : vector<2048x16xf32>
    %get3A_19 = arith.constant 0 : index
    %get3A_20 = arith.constant 0 : index
    %get3A_21 = vector.load %arg0[%get3A_19, %get3A_20] : memref<2048x64xf32, #tpu.memory_space<vmem>>, vector<2048x64xf32>
    %get3A_22 = arith.constant 0 : index
    %get3A_23 = arith.constant 0 : index
    %get3A_24 = vector.load %arg1[%get3A_22, %get3A_23] : memref<2048x64xf32, #tpu.memory_space<vmem>>, vector<2048x64xf32>
    %get3A_25 = arith.constant 0 : index
    %get3A_26 = arith.constant 0 : index
    %get3A_27 = vector.load %arg2[%get3A_25, %get3A_26] : memref<2048x64xf32, #tpu.memory_space<vmem>>, vector<2048x64xf32>
    %get3A_28 = arith.constant 0 : index
    %get3A_29 = arith.constant 0 : index
    %get3A_30 = vector.load %arg3[%get3A_28, %get3A_29] : memref<2048x64xf32, #tpu.memory_space<vmem>>, vector<2048x64xf32>
    %concatenate3A = tpu.concatenate %get3A_21, %get3A_24, %get3A_27, %get3A_30, %sin3A, %cos3A, %sin3A_11, %cos3A_12, %sin3A_17, %cos3A_18 in 1 : vector<2048x64xf32>, vector<2048x64xf32>, vector<2048x64xf32>, vector<2048x64xf32>, vector<2048x16xf32>, vector<2048x16xf32>, vector<2048x16xf32>, vector<2048x16xf32>, vector<2048x16xf32>, vector<2048x16xf32> -> vector<2048x352xf32>
    %get3A_31 = arith.constant 0 : index
    %get3A_32 = arith.constant 0 : index
    %get3A_33 = vector.load %arg5[%get3A_31, %get3A_32] : memref<352x64xf32, #tpu.memory_space<vmem>>, vector<352x64xf32>
    %dot_general3A = arith.constant dense<0.000000e+00> : vector<2048x64xf32>
    %dot_general3A_34 = tpu.matmul %concatenate3A, %get3A_33, %dot_general3A {dimension_numbers = #tpu.dot_dimension_numbers<[1], [0], [0], [1], [0, 0, 1, 1], [], []>, transpose_lhs_hint = false} : vector<2048x352xf32>, vector<352x64xf32>, vector<2048x64xf32> -> vector<2048x64xf32>
    %get3A_35 = arith.constant 0 : index
    %get3A_36 = arith.constant 0 : index
    %get3A_37 = vector.load %arg6[%get3A_35, %get3A_36] : memref<1x64xf32, #tpu.memory_space<vmem>>, vector<1x64xf32>
    %add3A = vector.broadcast %get3A_37 : vector<1x64xf32> to vector<2048x64xf32>
    %add3A_38 = arith.addf %dot_general3A_34, %add3A : vector<2048x64xf32>
    %get3A_39 = arith.constant 0 : index
    %get3A_40 = arith.constant 0 : index
    %get3A_41 = vector.load %arg7[%get3A_39, %get3A_40] : memref<1x64xf32, #tpu.memory_space<vmem>>, vector<1x64xf32>
    %get3A_42 = arith.constant 0 : index
    %get3A_43 = arith.constant 0 : index
    %get3A_44 = vector.load %arg8[%get3A_42, %get3A_43] : memref<1x64xf32, #tpu.memory_space<vmem>>, vector<1x64xf32>
    %reduce_sum3A = arith.constant dense<0.000000e+00> : vector<2048xf32>
    %reduce_sum3A_45 = vector.multi_reduction <add>, %add3A_38, %reduce_sum3A [1] : vector<2048x64xf32> to vector<2048xf32>
    %broadcast_in_dim3A = vector.shape_cast %reduce_sum3A_45 : vector<2048xf32> to vector<2048x1xf32>
    %div3A = arith.constant 6.400000e+01 : f32
    %div3A_46 = vector.broadcast %div3A : f32 to vector<2048x1xf32>
    %div3A_47 = arith.divf %broadcast_in_dim3A, %div3A_46 : vector<2048x1xf32>
    %sub3A = vector.broadcast %div3A_47 : vector<2048x1xf32> to vector<2048x64xf32>
    %sub3A_48 = arith.subf %add3A_38, %sub3A : vector<2048x64xf32>
    %mul3A_49 = arith.mulf %sub3A_48, %sub3A_48 : vector<2048x64xf32>
    %reduce_sum3A_50 = arith.constant dense<0.000000e+00> : vector<2048xf32>
    %reduce_sum3A_51 = vector.multi_reduction <add>, %mul3A_49, %reduce_sum3A_50 [1] : vector<2048x64xf32> to vector<2048xf32>
    %broadcast_in_dim3A_52 = vector.shape_cast %reduce_sum3A_51 : vector<2048xf32> to vector<2048x1xf32>
    %div3A_53 = arith.constant 6.400000e+01 : f32
    %div3A_54 = vector.broadcast %div3A_53 : f32 to vector<2048x1xf32>
    %div3A_55 = arith.divf %broadcast_in_dim3A_52, %div3A_54 : vector<2048x1xf32>
    %add3A_56 = arith.constant 9.99999974E-6 : f32
    %add3A_57 = vector.broadcast %add3A_56 : f32 to vector<2048x1xf32>
    %add3A_58 = arith.addf %div3A_55, %add3A_57 : vector<2048x1xf32>
    %sqrt3A = math.sqrt %add3A_58 : vector<2048x1xf32>
    %div3A_59 = vector.broadcast %sqrt3A : vector<2048x1xf32> to vector<2048x64xf32>
    %div3A_60 = arith.divf %sub3A_48, %div3A_59 : vector<2048x64xf32>
    %mul3A_61 = vector.broadcast %get3A_41 : vector<1x64xf32> to vector<2048x64xf32>
    %mul3A_62 = arith.mulf %div3A_60, %mul3A_61 : vector<2048x64xf32>
    %add3A_63 = vector.broadcast %get3A_44 : vector<1x64xf32> to vector<2048x64xf32>
    %add3A_64 = arith.addf %mul3A_62, %add3A_63 : vector<2048x64xf32>
    %mul3A_65 = arith.constant 5.000000e-01 : f32
    %mul3A_66 = vector.broadcast %mul3A_65 : f32 to vector<2048x64xf32>
    %mul3A_67 = arith.mulf %add3A_64, %mul3A_66 : vector<2048x64xf32>
    %mul3A_68 = arith.constant 0.707106769 : f32
    %mul3A_69 = vector.broadcast %mul3A_68 : f32 to vector<2048x64xf32>
    %mul3A_70 = arith.mulf %add3A_64, %mul3A_69 : vector<2048x64xf32>
    %erf3A = math.erf %mul3A_70 : vector<2048x64xf32>
    %add3A_71 = arith.constant 1.000000e+00 : f32
    %add3A_72 = vector.broadcast %add3A_71 : f32 to vector<2048x64xf32>
    %add3A_73 = arith.addf %add3A_72, %erf3A : vector<2048x64xf32>
    %mul3A_74 = arith.mulf %mul3A_67, %add3A_73 : vector<2048x64xf32>
    %get3A_75 = arith.constant 0 : index
    %get3A_76 = arith.constant 0 : index
    %get3A_77 = vector.load %arg9[%get3A_75, %get3A_76] : memref<64x64xf32, #tpu.memory_space<vmem>>, vector<64x64xf32>
    %dot_general3A_78 = arith.constant dense<0.000000e+00> : vector<2048x64xf32>
    %dot_general3A_79 = tpu.matmul %mul3A_74, %get3A_77, %dot_general3A_78 {dimension_numbers = #tpu.dot_dimension_numbers<[1], [0], [0], [1], [0, 0, 1, 1], [], []>, transpose_lhs_hint = false} : vector<2048x64xf32>, vector<64x64xf32>, vector<2048x64xf32> -> vector<2048x64xf32>
    %get3A_80 = arith.constant 0 : index
    %get3A_81 = arith.constant 0 : index
    %get3A_82 = vector.load %arg10[%get3A_80, %get3A_81] : memref<1x64xf32, #tpu.memory_space<vmem>>, vector<1x64xf32>
    %add3A_83 = vector.broadcast %get3A_82 : vector<1x64xf32> to vector<2048x64xf32>
    %add3A_84 = arith.addf %dot_general3A_79, %add3A_83 : vector<2048x64xf32>
    %get3A_85 = arith.constant 0 : index
    %get3A_86 = arith.constant 0 : index
    %get3A_87 = vector.load %arg11[%get3A_85, %get3A_86] : memref<1x64xf32, #tpu.memory_space<vmem>>, vector<1x64xf32>
    %get3A_88 = arith.constant 0 : index
    %get3A_89 = arith.constant 0 : index
    %get3A_90 = vector.load %arg12[%get3A_88, %get3A_89] : memref<1x64xf32, #tpu.memory_space<vmem>>, vector<1x64xf32>
    %reduce_sum3A_91 = arith.constant dense<0.000000e+00> : vector<2048xf32>
    %reduce_sum3A_92 = vector.multi_reduction <add>, %add3A_84, %reduce_sum3A_91 [1] : vector<2048x64xf32> to vector<2048xf32>
    %broadcast_in_dim3A_93 = vector.shape_cast %reduce_sum3A_92 : vector<2048xf32> to vector<2048x1xf32>
    %div3A_94 = arith.constant 6.400000e+01 : f32
    %div3A_95 = vector.broadcast %div3A_94 : f32 to vector<2048x1xf32>
    %div3A_96 = arith.divf %broadcast_in_dim3A_93, %div3A_95 : vector<2048x1xf32>
    %sub3A_97 = vector.broadcast %div3A_96 : vector<2048x1xf32> to vector<2048x64xf32>
    %sub3A_98 = arith.subf %add3A_84, %sub3A_97 : vector<2048x64xf32>
    %mul3A_99 = arith.mulf %sub3A_98, %sub3A_98 : vector<2048x64xf32>
    %reduce_sum3A_100 = arith.constant dense<0.000000e+00> : vector<2048xf32>
    %reduce_sum3A_101 = vector.multi_reduction <add>, %mul3A_99, %reduce_sum3A_100 [1] : vector<2048x64xf32> to vector<2048xf32>
    %broadcast_in_dim3A_102 = vector.shape_cast %reduce_sum3A_101 : vector<2048xf32> to vector<2048x1xf32>
    %div3A_103 = arith.constant 6.400000e+01 : f32
    %div3A_104 = vector.broadcast %div3A_103 : f32 to vector<2048x1xf32>
    %div3A_105 = arith.divf %broadcast_in_dim3A_102, %div3A_104 : vector<2048x1xf32>
    %add3A_106 = arith.constant 9.99999974E-6 : f32
    %add3A_107 = vector.broadcast %add3A_106 : f32 to vector<2048x1xf32>
    %add3A_108 = arith.addf %div3A_105, %add3A_107 : vector<2048x1xf32>
    %sqrt3A_109 = math.sqrt %add3A_108 : vector<2048x1xf32>
    %div3A_110 = vector.broadcast %sqrt3A_109 : vector<2048x1xf32> to vector<2048x64xf32>
    %div3A_111 = arith.divf %sub3A_98, %div3A_110 : vector<2048x64xf32>
    %mul3A_112 = vector.broadcast %get3A_87 : vector<1x64xf32> to vector<2048x64xf32>
    %mul3A_113 = arith.mulf %div3A_111, %mul3A_112 : vector<2048x64xf32>
    %add3A_114 = vector.broadcast %get3A_90 : vector<1x64xf32> to vector<2048x64xf32>
    %add3A_115 = arith.addf %mul3A_113, %add3A_114 : vector<2048x64xf32>
    %swap3A = arith.constant 0 : index
    %swap3A_116 = arith.constant 0 : index
    %swap3A_117 = vector.load %arg13[%swap3A, %swap3A_116] : memref<2048x64xf32, #tpu.memory_space<vmem>>, vector<2048x64xf32>
    tpu.vector_store %arg13[%swap3A, %swap3A_116], %add3A_115 {strides = array<i32>} : memref<2048x64xf32, #tpu.memory_space<vmem>>, vector<2048x64xf32>,
    return
  }
}

</mosaic_0001>

<sc_bundles>
// kernel: kernel.11.cloned.1.call-start
scs
__scs_entry_jumppad:
0x0: {  	(pc) =	sbr.rel $0x88, $3  }
0x1: {  	(tag) =	ssettag $0x0;
	lr =	simm.s32 $0x1  }
0x2: {  	[smem:$0x3F7F] =	sst lr;
	_ =	strace $0xD0000000  }
0x3: {  	_ = 	snop  }
0x4: {  	_ = 	snop  }
0x5: {  	_ = 	snop  }
0x6: {  	_ = 	snop  }
0x7: {  	_ = 	snop  }
__scs_overlays_trampoline_lowered:
0x8: {  	[smem:$0x3F8E] =	sst s0  }
0x9: {  	[smem:$0x3F8F] =	sst s1  }
0xa: {  	[smem:$0x3F90] =	sst s2  }
0xb: {  	[smem:$0x3F91] =	sst s3  }
0xc: {  	[smem:$0x3F92] =	sst s4  }
0xd: {  	[smem:$0x3F93] =	sst s5  }
0xe: {  	[smem:$0x3F94] =	sst s6  }
0xf: {  	[smem:$0x3F95] =	sst s7  }
0x10: {  	[smem:$0x3F96] =	sst s8  }
0x11: {  	[smem:$0x3F97] =	sst s9;
	s0 =	simm.s32 @!p0 $0x0  }
0x12: {  	s1 =	sld [smem:$0x3F7D];
	s0 =	simm.s32 @p0 $0x1  }
0x13: {  	[smem:$0x3F98] =	sst s0;
	s0 =	simm.s32 @!p1 $0x0  }
0x14: {  	s2 =	sld [smem:$0x3F7C];
	s0 =	simm.s32 @p1 $0x1  }
0x15: {  	[smem:$0x3F99] =	sst s0;
	s0 =	simm.s32 @!p2 $0x0  }
0x16: {  	s3 =	sld [smem:$0x3FDB];
	s0 =	simm.s32 @p2 $0x1  }
0x17: {  	s4 =	simm.s32 $0x1BF5;
	[smem:$0x3F9B] =	sst s0  }
0x18: {  	s0 =	sld [smem:$0x3F7E];
	_ =	swait.ge [sflag:s4], $0x0  }
0x19: {  	s7 =	sld [smem:$0x3F7F]  }
0x1a: {  	s8 =	sadd.s32 $0xFFFFE003, lr  }
0x1b: {  	s9 =	sadd.s32 $0xFFFFFEF7, lr;
	s5 =	simm.s32 $0xFFFFFFFF;
	p2 =	slt.u32 s8, $0xFFFFF086  }
0x1c: {  	p1 =	slt.u32 s9, $0xF7A;
	s5 =	simm.s32 @!p2 $0x0  }
0x1d: {  	s5 =	simm.s32 @p1 $0x1;
	p0 =	seq.s32 s7, s2  }
0x1e: {  	s7 =	smul.u32 @!p0 $0xF7A, s2;
	p2 =	seq.s32 @!p0 s5, $0x0  }
0x1f: {  	s9 =	smul.u32 $0xF7A, s1;
	s8 =	simm.s32 @!p0 $0x1BF5;
	p2 =	por !p2, p0  }
0x20: {  	[sflag:s8] =	ssyncset.s32 @!p0 $0xFFFFF086;
	s6 =	sadd.s32 @!p0 s3, s7;
	s7 =	simm.s32 @!p0 $0x108  }
0x21: {  	s3 =	sadd.s32 s3, s9;
	s6 =	sadd.s32 @!p0 $0x88, s6;
	s7 =	simm.s32 @p2 $0x1082  }
0x22: {  	[simem:s7], [sflag:s8] =	dma.local @!p0 [hbm:s6], $0xF7A  }
0x23: {  	s9 =	sor.u32 $0xD0000000, s2;
	s6 =	simm.s32 $0x108;
	_ =	swait.ge @!p0 [sflag:s8], $0x0  }
0x24: {  	s3 =	sadd.s32 $0x88, s3;
	s6 =	simm.s32 @!p1 $0x1082;
	[sflag:s4] =	ssyncset.s32 $0xFFFFF086  }
0x25: {  	[simem:s6], [sflag:s4] =	dma.local [hbm:s3], $0xF7A  }
0x26: {  	[smem:$0x3F7F] =	sst s1;
	(tag) =	ssettag s2;
	_ =	strace s9  }
0x27: {  	s1 =	sld [smem:$0x3F8F]  }
0x28: {  	s2 =	sld [smem:$0x3F90]  }
0x29: {  	s4 =	sld [smem:$0x3F92]  }
0x2a: {  	p0 =	seq.s32 s5, $0x0;
	s5 =	sld [smem:$0x3F93]  }
0x2b: {  	s6 =	sld [smem:$0x3F94]  }
0x2c: {  	s7 =	sld [smem:$0x3F95]  }
0x2d: {  	s3 =	simm.s32 $0x108;
	s8 =	sld [smem:$0x3F96]  }
0x2e: {  	s3 =	simm.s32 @!p0 $0x1082;
	s9 =	sld [smem:$0x3F97]  }
0x2f: {  	lr =	sadd.s32 s0, s3;
	s0 =	sld [smem:$0x3F8E]  }
0x30: {  	s3 =	sld [smem:$0x3F91]  }
0x31: {  	[smem:$0x3F9A] =	sst s10  }
0x32: {  	s10 =	sld [smem:$0x3F98];
	_ =	sdelay $0x3  }
0x33: {  	p0 =	seq.s32 s10, $0x1;
	s10 =	sld [smem:$0x3F9A];
	_ =	sdelay $0x3  }
0x34: {  	[smem:$0x3F9A] =	sst s10  }
0x35: {  	s10 =	sld [smem:$0x3F99];
	_ =	sdelay $0x3  }
0x36: {  	p1 =	seq.s32 s10, $0x1;
	s10 =	sld [smem:$0x3F9A];
	_ =	sdelay $0x3  }
0x37: {  	[smem:$0x3F9A] =	sst s10  }
0x38: {  	s10 =	sld [smem:$0x3F9B]  }
0x39: {  	_ = 	snop;
	(pc) =	sbr.ind lr, $3  }
0x3a: {  	_ = 	snop  }
0x3b: {  	_ = 	snop  }
0x3c: {  	p2 =	seq.s32 s10, $0x1;
	s10 =	sld [smem:$0x3F9A]  }
0x3d: {  	_ =	shalt  }
0x3e: {  	_ =	shalt  }
0x3f: {  	_ =	shalt  }
0x40: {  	_ =	shalt  }
0x41: {  	_ =	shalt  }
0x42: {  	_ =	shalt  }
0x43: {  	_ =	shalt  }
0x44: {  	_ =	shalt  }
0x45: {  	_ =	shalt  }
0x46: {  	_ =	shalt  }
0x47: {  	_ =	shalt  }
0x48: {  	_ =	shalt  }
0x49: {  	_ =	shalt  }
0x4a: {  	_ =	shalt  }
0x4b: {  	_ =	shalt  }
0x4c: {  	_ =	shalt  }
0x4d: {  	_ =	shalt  }
0x4e: {  	_ =	shalt  }
0x4f: {  	_ =	shalt  }
0x50: {  	_ =	shalt  }
0x51: {  	_ =	shalt  }
0x52: {  	_ =	shalt  }
0x53: {  	_ =	shalt  }
0x54: {  	_ =	shalt  }
0x55: {  	_ =	shalt  }
0x56: {  	_ =	shalt  }
0x57: {  	_ =	shalt  }
0x58: {  	_ =	shalt  }
0x59: {  	_ =	shalt  }
0x5a: {  	_ =	shalt  }
0x5b: {  	_ =	shalt  }
0x5c: {  	_ =	shalt  }
0x5d: {  	_ =	shalt  }
0x5e: {  	_ =	shalt  }
0x5f: {  	_ =	shalt  }
0x60: {  	_ =	shalt  }
0x61: {  	_ =	shalt  }
0x62: {  	_ =	shalt  }
0x63: {  	_ =	shalt  }
0x64: {  	_ =	shalt  }
0x65: {  	_ =	shalt  }
0x66: {  	_ =	shalt  }
0x67: {  	_ =	shalt  }
0x68: {  	_ =	shalt  }
0x69: {  	_ =	shalt  }
0x6a: {  	_ =	shalt  }
0x6b: {  	_ =	shalt  }
0x6c: {  	_ =	shalt  }
0x6d: {  	_ =	shalt  }
0x6e: {  	_ =	shalt  }
0x6f: {  	_ =	shalt  }
0x70: {  	_ =	shalt  }
0x71: {  	_ =	shalt  }
0x72: {  	_ =	shalt  }
0x73: {  	_ =	shalt  }
0x74: {  	_ =	shalt  }
0x75: {  	_ =	shalt  }
0x76: {  	_ =	shalt  }
0x77: {  	_ =	shalt  }
0x78: {  	_ =	shalt  }
0x79: {  	_ =	shalt  }
0x7a: {  	_ =	shalt  }
0x7b: {  	_ =	shalt  }
0x7c: {  	_ =	shalt  }
0x7d: {  	_ =	shalt  }
0x7e: {  	_ =	shalt  }
0x7f: {  	_ =	shalt  }
0x80: {  	_ =	shalt  }
0x81: {  	_ =	shalt  }
0x82: {  	_ =	shalt  }
0x83: {  	_ =	shalt  }
0x84: {  	_ =	shalt  }
0x85: {  	_ =	shalt  }
0x86: {  	_ =	shalt  }
0x87: {  	_ =	shalt  }
.Lfunc_end0:
.L_simem_size_0:
called_computation_lowered:
.L_overlay_start_0:
0x88: {  	s2 =	sld [smem:$0x3FD9]  }
0x89: {  	s3 =	sld [smem:$0x3FFE];
	_ =	sdelay $0x1  }
0x8a: {  	s1 =	srdreg.scid  }
0x8b: {  	s0 =	sand.u32 $0x1, s1  }
0x8c: {  	s16 =	sshll.u32 s0, $0xA;
	s2 =	sadd.s32 s3, s2  }
0x8d: {  	s2 =	sadd.s32 s2, s16  }
0x8e: {  	[smem:$0x3FA6] =	sst s2  }
0x8f: {  	_ = 	snop  }
0x90: {  	(tm) =	ssettm $0x1  }
0x91: {  	s17 =	sld [smem:$0x3FFB];
	_ =	sdelay $0x3  }
0x92: {  	_ =	strace s17  }
0x93: {  	s2 =	sld [smem:$0x3FFC];
	_ =	sdelay $0x3  }
0x94: {  	_ =	strace s2  }
0x95: {  	s2 =	sld [smem:$0x3FFD];
	_ =	sdelay $0x3  }
0x96: {  	_ =	strace s2  }
0x97: {  	_ =	strace $0x8FFFFFFF  }
0x98: {  	s18 =	sld [smem:$0x3FDB];
	_ =	sdelay $0x1  }
0x99: {  	s19 =	simm.s32 $_scs_section_size  }
0x9a: {  	s4 =	simm.s32 $_size__tile_overlayer_lowered;
	s5 =	simm.s32 $_tile_overlayer_lowered  }
0x9b: {  	s22 =	simm.s32 $0x1BFF;
	s21 =	sshll.u32 s5, $0x1;
	s2 =	sadd.s32 s19, s18  }
0x9c: {  	s6 =	simm.s32 $0x0;
	s20 =	sshll.u32 s4, $0x1;
	s4 =	sadd.s32 s21, s2  }
0x9d: {  	[timem:s6], [sflag:s22] =	dma.local [hbm:s4], s20  }
0x9e: {  	_ =	swait.ge [sflag:s22], s20  }
0x9f: {  	s3 =	ssub.s32 $0x0, s20;
	[sflag:s22] =	ssyncset.done $0x0  }
0xa0: {  	[sflag:s22] =	ssyncadd.s32 s3;
	_ =	sdelay $0x1  }
0xa1: {  	s23 =	simm.s32 $0x1B8B  }
0xa2: {  	_ =	swait.ge [sflag:s23], $0x1  }
0xa3: {  	[sflag:s23] =	ssyncset.done $0x0  }
0xa4: {  	s25 =	simm.s32 $0x1B8E;
	s24 =	sld [smem:$0x3FFE];
	[sflag:s23] =	ssyncadd.s32 $0xFFFFFFFF  }
0xa5: {  	s26 =	simm.s32 $execute0_lowered;
	[smem:$0x3FD2] =	sst s25  }
0xa6: {  	s4 =	sshll.u32 s26, $0x1;
	_ =	strace $0x80000046;
	[dreg:$0x1] =	wrdreg $0xFFFFFFFF  }
0xa7: {  	s28 =	simm.s32 $_size_execute0_lowered;
	s2 =	sadd.s32 s2, s4;
	[dreg:$0x0] =	wrdreg $0x0  }
0xa8: {  	s4 =	sshll.u32 s28, $0x1;
	[dreg:$0x2] =	wrdreg s2  }
0xa9: {  	[dreg:$0x3] =	wrdreg s4  }
0xaa: {  	[dreg:$0x4] =	wrdreg $0xC0  }
0xab: {  	_ =	task [dreg:s6], $0x5FFFF  }
0xac: {  	[dreg:$0x1] =	wrdreg $0xFFFFFFFF  }
0xad: {  	[dreg:$0x0] =	wrdreg $0x60  }
0xae: {  	[dreg:$0x2] =	wrdreg s24  }
0xaf: {  	[dreg:$0x3] =	wrdreg $0x9  }
0xb0: {  	_ =	task.clear_ibuf [dreg:s6], $0x4FFFF;
	_ =	strace $0x90000046  }
0xb1: {  	s29 =	simm.s32 $0x9;
	_ =	strace $0x80000048  }
0xb2: {  	_ =	swait.ge [sflag:s29], $0x1  }
0xb3: {  	[sflag:s29] =	ssyncadd.s32 $0xFFFFFFFF  }
0xb4: {  	_ =	strace $0x90000048  }
0xb5: {  	_ =	sfence  }
0xb6: {  	s30 =	sld [smem:$0x0];
	_ =	sdelay $0x2  }
0xb7: {  	s31 =	sshll.u32 s1, $0xD;
	s1 =	sshrl.u32 s1, $0x2  }
0xb8: {  	s3 =	sand.u32 $0x4000, s31;
	s1 =	sadd.s32 s1, s30  }
0xb9: {  	s0 =	sor.u32 s3, s0;
	s1 =	sshll.u32 s1, $0x11  }
0xba: {  	s0 =	sor.u32 s1, s0  }
0xbb: {  	s0 =	sadd.s32 $0x8F2B, s0  }
0xbc: {  	[sflag:s0] =	ssyncadd.remote.s32 $0x1  }
0xbd: {  	_ =	sfence.sel $0xFFFF  }
0xbe: {  	[dreg:$0x0] =	wrdreg $0xFFFFFFFF;
	(pc) =	sbr.abs _section_cstart, $3  }
0xbf: {  	[dreg:$0x1] =	wrdreg $0xFFFFFFFF  }
0xc0: {  	_ =	task.clear_ibuf [dreg:s6], $0x2FFFF;
	_ =	strace $0x9FFFFFFF  }
0xc1: {  	(tm) =	ssettm $0x7FFFFFFF  }
tec
execute0_lowered:
.L_overlay_start_1:
0x0: {  	(tag) =	ssettag $0x1  }
0x1: {  	s4 =	rddreg [dreg:$0x0]  }
0x2: {  	s0 =	rddreg [dreg:$0x1]  }
0x3: {  	s3 =	srdreg.scid;
	s1 =	stileid.u32;
	s2 =	simm.s32 $0x0  }
0x4: {  	s11 =	simm.s32 $0x0;
	s5 =	sand.u32 $0x1, s3;
	s28 =	sshll.u32 s1, $0x1  }
0x5: {  	[smem:$0x7FF] =	sst s2;
	s7 =	smul.u32 $0x23A00, s1;
	s3 =	sor.u32 s5, s28  }
0x6: {  	_ =	strace $0x80000047;
	s8 =	ssub.s32 $0x2, s5;
	s10 =	smul.u32 $0x11D00, s5  }
0x7: {  	s6 =	smul.u32 $0x1C80, s3;
	s3 =	sadd.s32 $0x5C00, s4;
	s9 =	sshrl.u32 s8, $0x1  }
0x8: {  	s30 =	sadd.s32 s7, s4;
	s7 =	simm.s32 $0x2;
	s31 =	ssub.s32 s8, s9  }
0x9: {  	s8 =	simm.s32 $0x80;
	s9 =	simm.s32 $0x1C80;
	s6 =	sshrl.u32 s6, $0x3  }
0xa: {  	s5 =	smax.u32 s31, $0x1;
	s29 =	sadd.s32 s6, s4;
	s6 =	sadd.s32 s10, s30  }
0xb: {  	s10 =	simm.s32 $0x1;
	s4 =	sadd.s32 $0x55C00, s29;
	s6 =	sadd.s32 $0x5CE00, s6  }
.LBB2_1:
0xc: {  	[tilespmem:s2], [sflag:$0x2] =	stream.linear.gather [hbm4b:s4+s2], $0x1C80, $0x38;
	[tilespmem:$0x4480] =	vst v63  }
0xd: {  	_ =	swait.ge [sflag:s7], $0x1C80  }
0xe: {  	[sflag:s7] =	ssyncset.done $0x0  }
0xf: {  	s12 =	simm.s32 $0x0;
	[sflag:s7] =	ssyncadd.s32 $0xFFFFE380  }
0x10: {  	[tilespmem:s9], [sflag:$0x1] =	stream.indirect.gather [hbm4b:s3+s8], $0x50, s12, s8, $0xb8;
	[tilespmem:$0x4480] =	vst v63  }
0x11: {  	_ =	swait.ge [sflag:s10], $0x2800  }
0x12: {  	[sflag:s10] =	ssyncset.done $0x0  }
0x13: {  	[sflag:s10] =	ssyncadd.s32 $0xFFFFD800  }
0x14: {  	[hbm4b:s6+s2] =	stream.linear.scatter [tilespmem:s9], [sflag:$0x2], $0x2800, $0x38;
	[tilespmem:$0x4480] =	vst v63  }
0x15: {  	s13 =	simm.s32 $0x200;
	_ =	swait.ge [sflag:s7], $0x2800  }
0x16: {  	s14 =	simm.s32 $0x400;
	s12 =	sadd.s32 $0x500, s6;
	[sflag:s7] =	ssyncset.done $0x0  }
.LBB2_2:
0x17: {  	s15 =	sshra.s32 s13, $0x2  }
0x18: {  	[sflag:s7] =	ssyncadd.s32 $0xFFFFD800;
	s13 =	smov.u32 s14;
	s16 =	sadd.s32 $0x200, s14  }
0x19: {  	[tilespmem:s9], [sflag:$0x1] =	stream.indirect.gather [hbm4b:s3+s8], $0x50, s15, s8, $0xb8;
	[tilespmem:$0x4480] =	vst v63  }
0x1a: {  	p0 =	sne.s32 s14, $0x7000;
	_ =	swait.ge [sflag:s10], $0x2800  }
.Ltmp0:
0x1b: {  	[sflag:s10] =	ssyncset.done $0x0;
	(pc) =	sbr.rel @p0 .LBB2_2-.Ltmp0, $4  }
0x1c: {  	[sflag:s10] =	ssyncadd.s32 $0xFFFFD800  }
0x1d: {  	[hbm4b:s12+s2] =	stream.linear.scatter [tilespmem:s9], [sflag:$0x2], $0x2800, $0x38;
	[tilespmem:$0x4480] =	vst v63  }
0x1e: {  	_ =	swait.ge [sflag:s7], $0x2800  }
0x1f: {  	s14 =	smov.u32 s16;
	s12 =	sadd.s32 $0x500, s12;
	[sflag:s7] =	ssyncset.done $0x0  }
0x20: {  	s13 =	sshra.s32 s13, $0x2;
	[sflag:s7] =	ssyncadd.s32 $0xFFFFD800  }
0x21: {  	[tilespmem:s9], [sflag:$0x1] =	stream.indirect.gather [hbm4b:s3+s8], $0x50, s13, s8, $0xb8;
	[tilespmem:$0x4480] =	vst v63  }
0x22: {  	s11 =	sadd.s32 $0x1, s11;
	_ =	swait.ge [sflag:s10], $0x2800  }
0x23: {  	p0 =	sne.s32 s11, s5;
	[sflag:s10] =	ssyncset.done $0x0  }
.Ltmp1:
0x24: {  	[sflag:s10] =	ssyncadd.s32 $0xFFFFD800;
	(pc) =	sbr.rel @p0 .LBB2_1-.Ltmp1, $4  }
0x25: {  	[hbm4b:s12+s2] =	stream.linear.scatter [tilespmem:s9], [sflag:$0x2], $0x2800, $0x38;
	[tilespmem:$0x4480] =	vst v63  }
0x26: {  	_ =	swait.ge [sflag:s7], $0x2800  }
0x27: {  	[sflag:s7] =	ssyncset.done $0x0  }
0x28: {  	[sflag:s7] =	ssyncadd.s32 $0xFFFFD800  }
0x29: {  	_ =	sfence.sel $0x180000  }
0x2a: {  	[bflag:$0x0] =	sbarrier.arrive $0xFFFF  }
0x2b: {  	p0 =	sne.s32 s1, $0x0;
	_ =	strace $0x90000047  }
0x2c: {  	s0 =	sadd.s32 @!p0 $0x100000, s0;
	[bflag:$0x2] =	sbarrier.arrive $0xFFFF  }
0x2d: {  	[sflag:s0] =	ssyncadd.tile.s32 @!p0 $0x1;
	_ =	shalt  }
.Lfunc_end2:
_tile_overlayer_lowered:
.L_overlay_start_2:
0x2e: {  	(tag) =	ssettag $0x2  }
0x2f: {  	s0 =	rddreg [dreg:$0x0];
	s2 =	stileid.u32  }
0x30: {  	s1 =	rddreg [dreg:$0x1];
	p0 =	sne.s32 s2, $0x0  }
0x31: {  	s3 =	rddreg [dreg:$0x2];
	[bflag:$0x3] =	sbarrier.arrive $0xFFFF;
	s2 =	simm.s32 @!p0 $0x1C02  }
0x32: {  	[timem:s3], [sflag:s2] =	dma.local @!p0 [hbm:s0], s1  }
0x33: {  	s0 =	simm.s32 @!p0 $0x2  }
0x34: {  	_ =	swait.ge @!p0 [sflag:s0], s1  }
0x35: {  	s1 =	ssub.s32 @!p0 $0x0, s1;
	[sflag:s0] =	ssyncset.done @!p0 $0x0  }
0x36: {  	[sflag:s0] =	ssyncadd.s32 @!p0 s1  }
0x37: {  	[bflag:$0x3] =	sbarrier.arrive $0xFFFF  }
0x38: {  	_ =	shalt  }

</sc_bundles>
